<compile_context>
chip_gen: v7x
topology: tpu7x:2x2x1
jax: 0.10.2.dev20260603
libtpu: 0.0.44.dev20260713+nightly
codegen_flags: <defaults>
</compile_context>

<pallas_src>
import jax
import jax.numpy as jnp
from jax import lax
from jax.experimental import pallas as pl
from jax.experimental.pallas import tpu as pltpu
from jax.experimental.pallas import tpu_sc as plsc

_B, _C, _H, _W = 32, 64, 32, 32
_K = 1024
_HW = _H * _W
_RB = 1024
_NROWS = _B * _HW
_CCH = 8
_L = 16


def _vq_dist_kernel(lat_ref, cbt2_ref, cbt_ref, idx_ref, loss_ref):
    f = lat_ref[0].reshape(_C, _RB)
    cbt2 = cbt2_ref[...]
    cbt = cbt_ref[...]
    sq = (f * f).reshape(8, 8, _RB)
    t = ((sq[:, 0] + sq[:, 1]) + (sq[:, 2] + sq[:, 3])) + (
        (sq[:, 4] + sq[:, 5]) + (sq[:, 6] + sq[:, 7]))
    fsq = t[0]
    for g in range(1, 8):
        fsq = fsq + t[g]
    fsq = fsq[None, :]
    csq = jnp.sum(cbt * cbt, axis=0)[:, None]
    prod2 = lax.dot_general(cbt2, f, (((0,), (0,)), ((), ())),
                            preferred_element_type=jnp.float32)
    d2 = jnp.maximum((fsq + prod2) + csq, 0.0)
    dist = jnp.sqrt(d2)
    m = jnp.min(dist, axis=0, keepdims=True)
    iota = lax.broadcasted_iota(jnp.int32, (_K, _RB), 0)
    idx = jnp.min(jnp.where(dist == m, iota, _K), axis=0)
    idx_ref[0, 0] = idx
    m2 = jnp.min(d2, axis=0)
    loss_ref[0, 0] = jnp.full((_RB,), jnp.sum(m2), jnp.float32)


def _gather_body(cbt_hbm, idx_hbm, out_hbm, cbt_v, idx_v, row_v):
    wid = lax.axis_index("s") * 2 + lax.axis_index("c")
    pltpu.sync_copy(cbt_hbm, cbt_v)
    pltpu.sync_copy(idx_hbm.at[wid], idx_v)

    for c0 in range(0, _C, _CCH):
        def jbody(j, _):
            iv = idx_v[pl.ds(j * _L, _L)]
            for cc in range(_CCH):
                civ = iv + jnp.full((_L,), (c0 + cc) * _K, jnp.int32)
                g = plsc.load_gather(cbt_v, [civ])
                row_v[pl.ds(cc * _HW + j * _L, _L)] = g
            return _
        lax.fori_loop(0, _HW // _L, jbody, 0)
        pltpu.sync_copy(row_v, out_hbm.at[wid, pl.ds(c0 * _HW, _CCH * _HW)])


def _sc_gather(cbt_flat, idx2d):
    mesh = plsc.VectorSubcoreMesh(core_axis_name="c", subcore_axis_name="s")
    run = pl.kernel(
        _gather_body,
        mesh=mesh,
        out_type=jax.ShapeDtypeStruct((_B, _C * _HW), jnp.float32),
        scratch_types=[
            pltpu.VMEM((_C * _K,), jnp.float32),
            pltpu.VMEM((_HW,), jnp.int32),
            pltpu.VMEM((_CCH * _HW,), jnp.float32),
        ],
        compiler_params=pltpu.CompilerParams(needs_layout_passes=False),
    )
    return run(cbt_flat, idx2d)


def kernel(latents, codebook):
    cbt = codebook.T
    cbt2 = -2.0 * cbt
    idx, loss_p = pl.pallas_call(
        _vq_dist_kernel,
        grid=(_B,),
        in_specs=[
            pl.BlockSpec((1, _C, _H, _W), lambda i: (i, 0, 0, 0)),
            pl.BlockSpec((_C, _K), lambda i: (0, 0)),
            pl.BlockSpec((_C, _K), lambda i: (0, 0)),
        ],
        out_specs=[
            pl.BlockSpec((1, 1, _RB), lambda i: (i, 0, 0)),
            pl.BlockSpec((1, 1, _RB), lambda i: (i, 0, 0)),
        ],
        out_shape=[
            jax.ShapeDtypeStruct((_B, 1, _RB), jnp.int32),
            jax.ShapeDtypeStruct((_B, 1, _RB), jnp.float32),
        ],
        compiler_params=pltpu.CompilerParams(
            dimension_semantics=("parallel",)),
    )(latents, cbt2, cbt)
    q = _sc_gather(cbt.reshape(-1), idx.reshape(_B, _HW)).reshape(
        _B, _C, _H, _W)
    vq_loss = loss_p[:, 0, 0].sum() * (1.25 / _NROWS / _C)
    return q, vq_loss, idx.reshape(_NROWS)

# --- scband reference (transcript-rebuilt; emitter-appended) ---
"""Pipeline reference for scband-vector-quantizer-52707838656974 (READ-ONLY COPY).

The authoritative reference and input builder live on the scoring server;
editing this copy changes nothing except your own understanding.
"""

import jax, jax.numpy as jnp
import numpy as np


def setup_inputs(seed=0) -> dict:
    key = jax.random.key(seed)
    k1, k2 = jax.random.split(key)
    latents = jax.random.normal(k1, (32, 64, 32, 32), dtype=jnp.float32)
    num_embeddings = 1024
    embedding_dim = 64
    codebook = jax.random.uniform(
        k2, (num_embeddings, embedding_dim), dtype=jnp.float32,
        minval=-1.0 / num_embeddings, maxval=1.0 / num_embeddings)
    return {"latents": latents, "codebook": codebook}


def reference(latents, codebook):
    beta = 0.25
    # permute BCHW -> BHWC
    lat = jnp.transpose(latents, (0, 2, 3, 1))
    latents_shape = lat.shape
    flat = lat.reshape(-1, latents_shape[-1])
    # cdist (euclidean)
    d2 = (jnp.sum(flat ** 2, axis=1, keepdims=True)
          - 2.0 * flat @ codebook.T
          + jnp.sum(codebook ** 2, axis=1)[None, :])
    dist = jnp.sqrt(jnp.maximum(d2, 0.0))
    encoding_indices = jnp.argmin(dist, axis=1)
    quantized = jnp.take(codebook, encoding_indices, axis=0)
    commitment_loss = jnp.mean((jax.lax.stop_gradient(quantized) - flat) ** 2)
    embedding_loss = jnp.mean((quantized - jax.lax.stop_gradient(flat)) ** 2)
    vq_loss = commitment_loss * beta + embedding_loss
    # straight-through estimator
    quantized_st = flat + jax.lax.stop_gradient(quantized - flat)
    quantized_st = quantized_st.reshape(latents_shape)
    quantized_out = jnp.transpose(quantized_st, (0, 3, 1, 2))
    return (quantized_out, vq_loss, encoding_indices)

if __name__ == "__main__":
    import jax
    _d = setup_inputs()
    print(jax.jit(kernel)(*tuple(_d.values())))

</pallas_src>

<mosaic_0001>
#map = affine_map<(d0, d1) -> (0)>
#map1 = affine_map<(d0, d1) -> (0, 0)>
module attributes {stable_mosaic.version = 14 : i64} {
  func.func @_gather_body(%arg0: i32, %arg1: i32, %arg2: memref<65536xf32, #tpu.memory_space<hbm>>, %arg3: memref<32x1024xi32, #tpu.memory_space<hbm>>, %arg4: memref<32x65536xf32, #tpu.memory_space<hbm>>, %arg5: memref<65536xf32, #tpu.memory_space<vmem>>, %arg6: memref<1024xi32, #tpu.memory_space<vmem>>, %arg7: memref<8192xf32, #tpu.memory_space<vmem>>) attributes {dimension_semantics = [#tpu.dimension_semantics<core_parallel>, #tpu.dimension_semantics<subcore_parallel>], iteration_bounds = array<i64: 2, 16>, scalar_prefetch = 0 : i64, scratch_operands = 3 : i64, tpu.core_type = #tpu.core_type<sc_vector_subcore>, window_params = [{transform_indices = #map}, {transform_indices = #map1}, {transform_indices = #map1}]} {
    %mul3A = arith.constant 2 : i32
    %mul3A_0 = arith.muli %arg1, %mul3A : i32
    %add3A = arith.addi %mul3A_0, %arg0 : i32
    "tpu.region"() ({
      %run_scoped3A = tpu.sem_alloc : memref<!tpu.dma_semaphore, #tpu.memory_space<semaphore_mem>>
      tpu.enqueue_dma source(%arg2 : memref<65536xf32, #tpu.memory_space<hbm>>) target(%arg5 : memref<65536xf32, #tpu.memory_space<vmem>>) target_semaphore(%run_scoped3A : memref<!tpu.dma_semaphore, #tpu.memory_space<semaphore_mem>>)
      tpu.wait_dma2 semaphore(%run_scoped3A : memref<!tpu.dma_semaphore, #tpu.memory_space<semaphore_mem>>) src(%arg2 : memref<65536xf32, #tpu.memory_space<hbm>>) dst(%arg5 : memref<65536xf32, #tpu.memory_space<vmem>>)
      tpu.yield
    }) : () -> ()
    "tpu.region"() ({
      %run_scoped3A = tpu.sem_alloc : memref<!tpu.dma_semaphore, #tpu.memory_space<semaphore_mem>>
      %dma_start3A = arith.constant 0 : i32
      %dma_start3A_48 = tpu.memref_slice %arg3[%add3A, %dma_start3A] : memref<32x1024xi32, #tpu.memory_space<hbm>> -> memref<1x1024xi32, #tpu.memory_space<hbm>>
      %dma_start3A_49 = tpu.memref_squeeze %dma_start3A_48 : memref<1x1024xi32, #tpu.memory_space<hbm>> -> memref<1024xi32, #tpu.memory_space<hbm>>
      %dma_start3A_50 = arith.constant 0 : i32
      %dma_start3A_51 = tpu.memref_slice %arg3[%add3A, %dma_start3A_50] : memref<32x1024xi32, #tpu.memory_space<hbm>> -> memref<1x1024xi32, #tpu.memory_space<hbm>>
      %dma_start3A_52 = tpu.memref_squeeze %dma_start3A_51 : memref<1x1024xi32, #tpu.memory_space<hbm>> -> memref<1024xi32, #tpu.memory_space<hbm>>
      tpu.enqueue_dma source(%dma_start3A_52 : memref<1024xi32, #tpu.memory_space<hbm>>) target(%arg6 : memref<1024xi32, #tpu.memory_space<vmem>>) target_semaphore(%run_scoped3A : memref<!tpu.dma_semaphore, #tpu.memory_space<semaphore_mem>>)
      %dma_wait3A = arith.constant 0 : i32
      %dma_wait3A_53 = tpu.memref_slice %arg3[%add3A, %dma_wait3A] : memref<32x1024xi32, #tpu.memory_space<hbm>> -> memref<1x1024xi32, #tpu.memory_space<hbm>>
      %dma_wait3A_54 = tpu.memref_squeeze %dma_wait3A_53 : memref<1x1024xi32, #tpu.memory_space<hbm>> -> memref<1024xi32, #tpu.memory_space<hbm>>
      %dma_wait3A_55 = arith.constant 0 : i32
      %dma_wait3A_56 = tpu.memref_slice %arg3[%add3A, %dma_wait3A_55] : memref<32x1024xi32, #tpu.memory_space<hbm>> -> memref<1x1024xi32, #tpu.memory_space<hbm>>
      %dma_wait3A_57 = tpu.memref_squeeze %dma_wait3A_56 : memref<1x1024xi32, #tpu.memory_space<hbm>> -> memref<1024xi32, #tpu.memory_space<hbm>>
      tpu.wait_dma2 semaphore(%run_scoped3A : memref<!tpu.dma_semaphore, #tpu.memory_space<semaphore_mem>>) src(%dma_wait3A_57 : memref<1024xi32, #tpu.memory_space<hbm>>) dst(%arg6 : memref<1024xi32, #tpu.memory_space<vmem>>)
      tpu.yield
    }) : () -> ()
    %scan3A = arith.constant 0 : i32
    %scan3A_1 = arith.constant 0 : i32
    %scan3A_2 = arith.constant 64 : i32
    %scan3A_3 = arith.addi %scan3A_1, %scan3A_2 : i32
    %scan3A_4 = arith.constant 1 : i32
    scf.for %scan3A_48 = %scan3A_1 to %scan3A_3 step %scan3A_4  : i32 {
      %mul3A_49 = arith.constant 16 : i32
      %mul3A_50 = arith.muli %scan3A_48, %mul3A_49 : i32
      %get3A = arith.index_cast %mul3A_50 : i32 to index
      %get3A_51 = tpu.vector_load %arg6[%get3A] {strides = array<i32>} : memref<1024xi32, #tpu.memory_space<vmem>>, vector<16xi32>,
      %broadcast_in_dim3A = arith.constant 0 : i32
      %broadcast_in_dim3A_52 = vector.broadcast %broadcast_in_dim3A : i32 to vector<16xi32>
      %add3A_53 = arith.addi %get3A_51, %broadcast_in_dim3A_52 : vector<16xi32>
      %gather3A = tpu.vector_load_idx %arg5[%add3A_53] : memref<65536xf32, #tpu.memory_space<vmem>>[vector<16xi32>], vector<16xf32>,
      %mul3A_54 = arith.constant 16 : i32
      %mul3A_55 = arith.muli %scan3A_48, %mul3A_54 : i32
      %add3A_56 = arith.constant 0 : i32
      %add3A_57 = arith.addi %add3A_56, %mul3A_55 : i32
      %swap3A = arith.index_cast %add3A_57 : i32 to index
      %swap3A_58 = tpu.vector_load %arg7[%swap3A] {strides = array<i32>} : memref<8192xf32, #tpu.memory_space<vmem>>, vector<16xf32>,
      tpu.vector_store %arg7[%swap3A], %gather3A {strides = array<i32>} : memref<8192xf32, #tpu.memory_space<vmem>>, vector<16xf32>,
      %broadcast_in_dim3A_59 = arith.constant 1024 : i32
      %broadcast_in_dim3A_60 = vector.broadcast %broadcast_in_dim3A_59 : i32 to vector<16xi32>
      %add3A_61 = arith.addi %get3A_51, %broadcast_in_dim3A_60 : vector<16xi32>
      %gather3A_62 = tpu.vector_load_idx %arg5[%add3A_61] : memref<65536xf32, #tpu.memory_space<vmem>>[vector<16xi32>], vector<16xf32>,
      %mul3A_63 = arith.constant 16 : i32
      %mul3A_64 = arith.muli %scan3A_48, %mul3A_63 : i32
      %add3A_65 = arith.constant 1024 : i32
      %add3A_66 = arith.addi %add3A_65, %mul3A_64 : i32
      %swap3A_67 = arith.index_cast %add3A_66 : i32 to index
      %swap3A_68 = tpu.vector_load %arg7[%swap3A_67] {strides = array<i32>} : memref<8192xf32, #tpu.memory_space<vmem>>, vector<16xf32>,
      tpu.vector_store %arg7[%swap3A_67], %gather3A_62 {strides = array<i32>} : memref<8192xf32, #tpu.memory_space<vmem>>, vector<16xf32>,
      %broadcast_in_dim3A_69 = arith.constant 2048 : i32
      %broadcast_in_dim3A_70 = vector.broadcast %broadcast_in_dim3A_69 : i32 to vector<16xi32>
      %add3A_71 = arith.addi %get3A_51, %broadcast_in_dim3A_70 : vector<16xi32>
      %gather3A_72 = tpu.vector_load_idx %arg5[%add3A_71] : memref<65536xf32, #tpu.memory_space<vmem>>[vector<16xi32>], vector<16xf32>,
      %mul3A_73 = arith.constant 16 : i32
      %mul3A_74 = arith.muli %scan3A_48, %mul3A_73 : i32
      %add3A_75 = arith.constant 2048 : i32
      %add3A_76 = arith.addi %add3A_75, %mul3A_74 : i32
      %swap3A_77 = arith.index_cast %add3A_76 : i32 to index
      %swap3A_78 = tpu.vector_load %arg7[%swap3A_77] {strides = array<i32>} : memref<8192xf32, #tpu.memory_space<vmem>>, vector<16xf32>,
      tpu.vector_store %arg7[%swap3A_77], %gather3A_72 {strides = array<i32>} : memref<8192xf32, #tpu.memory_space<vmem>>, vector<16xf32>,
      %broadcast_in_dim3A_79 = arith.constant 3072 : i32
      %broadcast_in_dim3A_80 = vector.broadcast %broadcast_in_dim3A_79 : i32 to vector<16xi32>
      %add3A_81 = arith.addi %get3A_51, %broadcast_in_dim3A_80 : vector<16xi32>
      %gather3A_82 = tpu.vector_load_idx %arg5[%add3A_81] : memref<65536xf32, #tpu.memory_space<vmem>>[vector<16xi32>], vector<16xf32>,
      %mul3A_83 = arith.constant 16 : i32
      %mul3A_84 = arith.muli %scan3A_48, %mul3A_83 : i32
      %add3A_85 = arith.constant 3072 : i32
      %add3A_86 = arith.addi %add3A_85, %mul3A_84 : i32
      %swap3A_87 = arith.index_cast %add3A_86 : i32 to index
      %swap3A_88 = tpu.vector_load %arg7[%swap3A_87] {strides = array<i32>} : memref<8192xf32, #tpu.memory_space<vmem>>, vector<16xf32>,
      tpu.vector_store %arg7[%swap3A_87], %gather3A_82 {strides = array<i32>} : memref<8192xf32, #tpu.memory_space<vmem>>, vector<16xf32>,
      %broadcast_in_dim3A_89 = arith.constant 4096 : i32
      %broadcast_in_dim3A_90 = vector.broadcast %broadcast_in_dim3A_89 : i32 to vector<16xi32>
      %add3A_91 = arith.addi %get3A_51, %broadcast_in_dim3A_90 : vector<16xi32>
      %gather3A_92 = tpu.vector_load_idx %arg5[%add3A_91] : memref<65536xf32, #tpu.memory_space<vmem>>[vector<16xi32>], vector<16xf32>,
      %mul3A_93 = arith.constant 16 : i32
      %mul3A_94 = arith.muli %scan3A_48, %mul3A_93 : i32
      %add3A_95 = arith.constant 4096 : i32
      %add3A_96 = arith.addi %add3A_95, %mul3A_94 : i32
      %swap3A_97 = arith.index_cast %add3A_96 : i32 to index
      %swap3A_98 = tpu.vector_load %arg7[%swap3A_97] {strides = array<i32>} : memref<8192xf32, #tpu.memory_space<vmem>>, vector<16xf32>,
      tpu.vector_store %arg7[%swap3A_97], %gather3A_92 {strides = array<i32>} : memref<8192xf32, #tpu.memory_space<vmem>>, vector<16xf32>,
      %broadcast_in_dim3A_99 = arith.constant 5120 : i32
      %broadcast_in_dim3A_100 = vector.broadcast %broadcast_in_dim3A_99 : i32 to vector<16xi32>
      %add3A_101 = arith.addi %get3A_51, %broadcast_in_dim3A_100 : vector<16xi32>
      %gather3A_102 = tpu.vector_load_idx %arg5[%add3A_101] : memref<65536xf32, #tpu.memory_space<vmem>>[vector<16xi32>], vector<16xf32>,
      %mul3A_103 = arith.constant 16 : i32
      %mul3A_104 = arith.muli %scan3A_48, %mul3A_103 : i32
      %add3A_105 = arith.constant 5120 : i32
      %add3A_106 = arith.addi %add3A_105, %mul3A_104 : i32
      %swap3A_107 = arith.index_cast %add3A_106 : i32 to index
      %swap3A_108 = tpu.vector_load %arg7[%swap3A_107] {strides = array<i32>} : memref<8192xf32, #tpu.memory_space<vmem>>, vector<16xf32>,
      tpu.vector_store %arg7[%swap3A_107], %gather3A_102 {strides = array<i32>} : memref<8192xf32, #tpu.memory_space<vmem>>, vector<16xf32>,
      %broadcast_in_dim3A_109 = arith.constant 6144 : i32
      %broadcast_in_dim3A_110 = vector.broadcast %broadcast_in_dim3A_109 : i32 to vector<16xi32>
      %add3A_111 = arith.addi %get3A_51, %broadcast_in_dim3A_110 : vector<16xi32>
      %gather3A_112 = tpu.vector_load_idx %arg5[%add3A_111] : memref<65536xf32, #tpu.memory_space<vmem>>[vector<16xi32>], vector<16xf32>,
      %mul3A_113 = arith.constant 16 : i32
      %mul3A_114 = arith.muli %scan3A_48, %mul3A_113 : i32
      %add3A_115 = arith.constant 6144 : i32
      %add3A_116 = arith.addi %add3A_115, %mul3A_114 : i32
      %swap3A_117 = arith.index_cast %add3A_116 : i32 to index
      %swap3A_118 = tpu.vector_load %arg7[%swap3A_117] {strides = array<i32>} : memref<8192xf32, #tpu.memory_space<vmem>>, vector<16xf32>,
      tpu.vector_store %arg7[%swap3A_117], %gather3A_112 {strides = array<i32>} : memref<8192xf32, #tpu.memory_space<vmem>>, vector<16xf32>,
      %broadcast_in_dim3A_119 = arith.constant 7168 : i32
      %broadcast_in_dim3A_120 = vector.broadcast %broadcast_in_dim3A_119 : i32 to vector<16xi32>
      %add3A_121 = arith.addi %get3A_51, %broadcast_in_dim3A_120 : vector<16xi32>
      %gather3A_122 = tpu.vector_load_idx %arg5[%add3A_121] : memref<65536xf32, #tpu.memory_space<vmem>>[vector<16xi32>], vector<16xf32>,
      %mul3A_123 = arith.constant 16 : i32
      %mul3A_124 = arith.muli %scan3A_48, %mul3A_123 : i32
      %add3A_125 = arith.constant 7168 : i32
      %add3A_126 = arith.addi %add3A_125, %mul3A_124 : i32
      %swap3A_127 = arith.index_cast %add3A_126 : i32 to index
      %swap3A_128 = tpu.vector_load %arg7[%swap3A_127] {strides = array<i32>} : memref<8192xf32, #tpu.memory_space<vmem>>, vector<16xf32>,
      tpu.vector_store %arg7[%swap3A_127], %gather3A_122 {strides = array<i32>} : memref<8192xf32, #tpu.memory_space<vmem>>, vector<16xf32>,
    }
    %scan3A_5 = arith.constant 64 : i32
    "tpu.region"() ({
      %run_scoped3A = tpu.sem_alloc : memref<!tpu.dma_semaphore, #tpu.memory_space<semaphore_mem>>
      %dma_start3A = arith.constant 0 : i32
      %dma_start3A_48 = tpu.memref_slice %arg4[%add3A, %dma_start3A] : memref<32x65536xf32, #tpu.memory_space<hbm>> -> memref<1x8192xf32, #tpu.memory_space<hbm>>
      %dma_start3A_49 = tpu.memref_squeeze %dma_start3A_48 : memref<1x8192xf32, #tpu.memory_space<hbm>> -> memref<8192xf32, #tpu.memory_space<hbm>>
      %dma_start3A_50 = arith.constant 0 : i32
      %dma_start3A_51 = tpu.memref_slice %arg4[%add3A, %dma_start3A_50] : memref<32x65536xf32, #tpu.memory_space<hbm>> -> memref<1x8192xf32, #tpu.memory_space<hbm>>
      %dma_start3A_52 = tpu.memref_squeeze %dma_start3A_51 : memref<1x8192xf32, #tpu.memory_space<hbm>> -> memref<8192xf32, #tpu.memory_space<hbm>>
      tpu.enqueue_dma source(%arg7 : memref<8192xf32, #tpu.memory_space<vmem>>) target(%dma_start3A_52 : memref<8192xf32, #tpu.memory_space<hbm>>) target_semaphore(%run_scoped3A : memref<!tpu.dma_semaphore, #tpu.memory_space<semaphore_mem>>)
      %dma_wait3A = arith.constant 0 : i32
      %dma_wait3A_53 = tpu.memref_slice %arg4[%add3A, %dma_wait3A] : memref<32x65536xf32, #tpu.memory_space<hbm>> -> memref<1x8192xf32, #tpu.memory_space<hbm>>
      %dma_wait3A_54 = tpu.memref_squeeze %dma_wait3A_53 : memref<1x8192xf32, #tpu.memory_space<hbm>> -> memref<8192xf32, #tpu.memory_space<hbm>>
      %dma_wait3A_55 = arith.constant 0 : i32
      %dma_wait3A_56 = tpu.memref_slice %arg4[%add3A, %dma_wait3A_55] : memref<32x65536xf32, #tpu.memory_space<hbm>> -> memref<1x8192xf32, #tpu.memory_space<hbm>>
      %dma_wait3A_57 = tpu.memref_squeeze %dma_wait3A_56 : memref<1x8192xf32, #tpu.memory_space<hbm>> -> memref<8192xf32, #tpu.memory_space<hbm>>
      tpu.wait_dma2 semaphore(%run_scoped3A : memref<!tpu.dma_semaphore, #tpu.memory_space<semaphore_mem>>) src(%arg7 : memref<8192xf32, #tpu.memory_space<vmem>>) dst(%dma_wait3A_57 : memref<8192xf32, #tpu.memory_space<hbm>>)
      tpu.yield
    }) : () -> ()
    %scan3A_6 = arith.constant 0 : i32
    %scan3A_7 = arith.constant 0 : i32
    %scan3A_8 = arith.constant 64 : i32
    %scan3A_9 = arith.addi %scan3A_7, %scan3A_8 : i32
    %scan3A_10 = arith.constant 1 : i32
    scf.for %scan3A_48 = %scan3A_7 to %scan3A_9 step %scan3A_10  : i32 {
      %mul3A_49 = arith.constant 16 : i32
      %mul3A_50 = arith.muli %scan3A_48, %mul3A_49 : i32
      %get3A = arith.index_cast %mul3A_50 : i32 to index
      %get3A_51 = tpu.vector_load %arg6[%get3A] {strides = array<i32>} : memref<1024xi32, #tpu.memory_space<vmem>>, vector<16xi32>,
      %broadcast_in_dim3A = arith.constant 8192 : i32
      %broadcast_in_dim3A_52 = vector.broadcast %broadcast_in_dim3A : i32 to vector<16xi32>
      %add3A_53 = arith.addi %get3A_51, %broadcast_in_dim3A_52 : vector<16xi32>
      %gather3A = tpu.vector_load_idx %arg5[%add3A_53] : memref<65536xf32, #tpu.memory_space<vmem>>[vector<16xi32>], vector<16xf32>,
      %mul3A_54 = arith.constant 16 : i32
      %mul3A_55 = arith.muli %scan3A_48, %mul3A_54 : i32
      %add3A_56 = arith.constant 0 : i32
      %add3A_57 = arith.addi %add3A_56, %mul3A_55 : i32
      %swap3A = arith.index_cast %add3A_57 : i32 to index
      %swap3A_58 = tpu.vector_load %arg7[%swap3A] {strides = array<i32>} : memref<8192xf32, #tpu.memory_space<vmem>>, vector<16xf32>,
      tpu.vector_store %arg7[%swap3A], %gather3A {strides = array<i32>} : memref<8192xf32, #tpu.memory_space<vmem>>, vector<16xf32>,
      %broadcast_in_dim3A_59 = arith.constant 9216 : i32
      %broadcast_in_dim3A_60 = vector.broadcast %broadcast_in_dim3A_59 : i32 to vector<16xi32>
      %add3A_61 = arith.addi %get3A_51, %broadcast_in_dim3A_60 : vector<16xi32>
      %gather3A_62 = tpu.vector_load_idx %arg5[%add3A_61] : memref<65536xf32, #tpu.memory_space<vmem>>[vector<16xi32>], vector<16xf32>,
      %mul3A_63 = arith.constant 16 : i32
      %mul3A_64 = arith.muli %scan3A_48, %mul3A_63 : i32
      %add3A_65 = arith.constant 1024 : i32
      %add3A_66 = arith.addi %add3A_65, %mul3A_64 : i32
      %swap3A_67 = arith.index_cast %add3A_66 : i32 to index
      %swap3A_68 = tpu.vector_load %arg7[%swap3A_67] {strides = array<i32>} : memref<8192xf32, #tpu.memory_space<vmem>>, vector<16xf32>,
      tpu.vector_store %arg7[%swap3A_67], %gather3A_62 {strides = array<i32>} : memref<8192xf32, #tpu.memory_space<vmem>>, vector<16xf32>,
      %broadcast_in_dim3A_69 = arith.constant 10240 : i32
      %broadcast_in_dim3A_70 = vector.broadcast %broadcast_in_dim3A_69 : i32 to vector<16xi32>
      %add3A_71 = arith.addi %get3A_51, %broadcast_in_dim3A_70 : vector<16xi32>
      %gather3A_72 = tpu.vector_load_idx %arg5[%add3A_71] : memref<65536xf32, #tpu.memory_space<vmem>>[vector<16xi32>], vector<16xf32>,
      %mul3A_73 = arith.constant 16 : i32
      %mul3A_74 = arith.muli %scan3A_48, %mul3A_73 : i32
      %add3A_75 = arith.constant 2048 : i32
      %add3A_76 = arith.addi %add3A_75, %mul3A_74 : i32
      %swap3A_77 = arith.index_cast %add3A_76 : i32 to index
      %swap3A_78 = tpu.vector_load %arg7[%swap3A_77] {strides = array<i32>} : memref<8192xf32, #tpu.memory_space<vmem>>, vector<16xf32>,
      tpu.vector_store %arg7[%swap3A_77], %gather3A_72 {strides = array<i32>} : memref<8192xf32, #tpu.memory_space<vmem>>, vector<16xf32>,
      %broadcast_in_dim3A_79 = arith.constant 11264 : i32
      %broadcast_in_dim3A_80 = vector.broadcast %broadcast_in_dim3A_79 : i32 to vector<16xi32>
      %add3A_81 = arith.addi %get3A_51, %broadcast_in_dim3A_80 : vector<16xi32>
      %gather3A_82 = tpu.vector_load_idx %arg5[%add3A_81] : memref<65536xf32, #tpu.memory_space<vmem>>[vector<16xi32>], vector<16xf32>,
      %mul3A_83 = arith.constant 16 : i32
      %mul3A_84 = arith.muli %scan3A_48, %mul3A_83 : i32
      %add3A_85 = arith.constant 3072 : i32
      %add3A_86 = arith.addi %add3A_85, %mul3A_84 : i32
      %swap3A_87 = arith.index_cast %add3A_86 : i32 to index
      %swap3A_88 = tpu.vector_load %arg7[%swap3A_87] {strides = array<i32>} : memref<8192xf32, #tpu.memory_space<vmem>>, vector<16xf32>,
      tpu.vector_store %arg7[%swap3A_87], %gather3A_82 {strides = array<i32>} : memref<8192xf32, #tpu.memory_space<vmem>>, vector<16xf32>,
      %broadcast_in_dim3A_89 = arith.constant 12288 : i32
      %broadcast_in_dim3A_90 = vector.broadcast %broadcast_in_dim3A_89 : i32 to vector<16xi32>
      %add3A_91 = arith.addi %get3A_51, %broadcast_in_dim3A_90 : vector<16xi32>
      %gather3A_92 = tpu.vector_load_idx %arg5[%add3A_91] : memref<65536xf32, #tpu.memory_space<vmem>>[vector<16xi32>], vector<16xf32>,
      %mul3A_93 = arith.constant 16 : i32
      %mul3A_94 = arith.muli %scan3A_48, %mul3A_93 : i32
      %add3A_95 = arith.constant 4096 : i32
      %add3A_96 = arith.addi %add3A_95, %mul3A_94 : i32
      %swap3A_97 = arith.index_cast %add3A_96 : i32 to index
      %swap3A_98 = tpu.vector_load %arg7[%swap3A_97] {strides = array<i32>} : memref<8192xf32, #tpu.memory_space<vmem>>, vector<16xf32>,
      tpu.vector_store %arg7[%swap3A_97], %gather3A_92 {strides = array<i32>} : memref<8192xf32, #tpu.memory_space<vmem>>, vector<16xf32>,
      %broadcast_in_dim3A_99 = arith.constant 13312 : i32
      %broadcast_in_dim3A_100 = vector.broadcast %broadcast_in_dim3A_99 : i32 to vector<16xi32>
      %add3A_101 = arith.addi %get3A_51, %broadcast_in_dim3A_100 : vector<16xi32>
      %gather3A_102 = tpu.vector_load_idx %arg5[%add3A_101] : memref<65536xf32, #tpu.memory_space<vmem>>[vector<16xi32>], vector<16xf32>,
      %mul3A_103 = arith.constant 16 : i32
      %mul3A_104 = arith.muli %scan3A_48, %mul3A_103 : i32
      %add3A_105 = arith.constant 5120 : i32
      %add3A_106 = arith.addi %add3A_105, %mul3A_104 : i32
      %swap3A_107 = arith.index_cast %add3A_106 : i32 to index
      %swap3A_108 = tpu.vector_load %arg7[%swap3A_107] {strides = array<i32>} : memref<8192xf32, #tpu.memory_space<vmem>>, vector<16xf32>,
      tpu.vector_store %arg7[%swap3A_107], %gather3A_102 {strides = array<i32>} : memref<8192xf32, #tpu.memory_space<vmem>>, vector<16xf32>,
      %broadcast_in_dim3A_109 = arith.constant 14336 : i32
      %broadcast_in_dim3A_110 = vector.broadcast %broadcast_in_dim3A_109 : i32 to vector<16xi32>
      %add3A_111 = arith.addi %get3A_51, %broadcast_in_dim3A_110 : vector<16xi32>
      %gather3A_112 = tpu.vector_load_idx %arg5[%add3A_111] : memref<65536xf32, #tpu.memory_space<vmem>>[vector<16xi32>], vector<16xf32>,
      %mul3A_113 = arith.constant 16 : i32
      %mul3A_114 = arith.muli %scan3A_48, %mul3A_113 : i32
      %add3A_115 = arith.constant 6144 : i32
      %add3A_116 = arith.addi %add3A_115, %mul3A_114 : i32
      %swap3A_117 = arith.index_cast %add3A_116 : i32 to index
      %swap3A_118 = tpu.vector_load %arg7[%swap3A_117] {strides = array<i32>} : memref<8192xf32, #tpu.memory_space<vmem>>, vector<16xf32>,
      tpu.vector_store %arg7[%swap3A_117], %gather3A_112 {strides = array<i32>} : memref<8192xf32, #tpu.memory_space<vmem>>, vector<16xf32>,
      %broadcast_in_dim3A_119 = arith.constant 15360 : i32
      %broadcast_in_dim3A_120 = vector.broadcast %broadcast_in_dim3A_119 : i32 to vector<16xi32>
      %add3A_121 = arith.addi %get3A_51, %broadcast_in_dim3A_120 : vector<16xi32>
      %gather3A_122 = tpu.vector_load_idx %arg5[%add3A_121] : memref<65536xf32, #tpu.memory_space<vmem>>[vector<16xi32>], vector<16xf32>,
      %mul3A_123 = arith.constant 16 : i32
      %mul3A_124 = arith.muli %scan3A_48, %mul3A_123 : i32
      %add3A_125 = arith.constant 7168 : i32
      %add3A_126 = arith.addi %add3A_125, %mul3A_124 : i32
      %swap3A_127 = arith.index_cast %add3A_126 : i32 to index
      %swap3A_128 = tpu.vector_load %arg7[%swap3A_127] {strides = array<i32>} : memref<8192xf32, #tpu.memory_space<vmem>>, vector<16xf32>,
      tpu.vector_store %arg7[%swap3A_127], %gather3A_122 {strides = array<i32>} : memref<8192xf32, #tpu.memory_space<vmem>>, vector<16xf32>,
    }
    %scan3A_11 = arith.constant 64 : i32
    "tpu.region"() ({
      %run_scoped3A = tpu.sem_alloc : memref<!tpu.dma_semaphore, #tpu.memory_space<semaphore_mem>>
      %dma_start3A = arith.constant 8192 : i32
      %dma_start3A_48 = tpu.memref_slice %arg4[%add3A, %dma_start3A] : memref<32x65536xf32, #tpu.memory_space<hbm>> -> memref<1x8192xf32, #tpu.memory_space<hbm>>
      %dma_start3A_49 = tpu.memref_squeeze %dma_start3A_48 : memref<1x8192xf32, #tpu.memory_space<hbm>> -> memref<8192xf32, #tpu.memory_space<hbm>>
      %dma_start3A_50 = arith.constant 8192 : i32
      %dma_start3A_51 = tpu.memref_slice %arg4[%add3A, %dma_start3A_50] : memref<32x65536xf32, #tpu.memory_space<hbm>> -> memref<1x8192xf32, #tpu.memory_space<hbm>>
      %dma_start3A_52 = tpu.memref_squeeze %dma_start3A_51 : memref<1x8192xf32, #tpu.memory_space<hbm>> -> memref<8192xf32, #tpu.memory_space<hbm>>
      tpu.enqueue_dma source(%arg7 : memref<8192xf32, #tpu.memory_space<vmem>>) target(%dma_start3A_52 : memref<8192xf32, #tpu.memory_space<hbm>>) target_semaphore(%run_scoped3A : memref<!tpu.dma_semaphore, #tpu.memory_space<semaphore_mem>>)
      %dma_wait3A = arith.constant 8192 : i32
      %dma_wait3A_53 = tpu.memref_slice %arg4[%add3A, %dma_wait3A] : memref<32x65536xf32, #tpu.memory_space<hbm>> -> memref<1x8192xf32, #tpu.memory_space<hbm>>
      %dma_wait3A_54 = tpu.memref_squeeze %dma_wait3A_53 : memref<1x8192xf32, #tpu.memory_space<hbm>> -> memref<8192xf32, #tpu.memory_space<hbm>>
      %dma_wait3A_55 = arith.constant 8192 : i32
      %dma_wait3A_56 = tpu.memref_slice %arg4[%add3A, %dma_wait3A_55] : memref<32x65536xf32, #tpu.memory_space<hbm>> -> memref<1x8192xf32, #tpu.memory_space<hbm>>
      %dma_wait3A_57 = tpu.memref_squeeze %dma_wait3A_56 : memref<1x8192xf32, #tpu.memory_space<hbm>> -> memref<8192xf32, #tpu.memory_space<hbm>>
      tpu.wait_dma2 semaphore(%run_scoped3A : memref<!tpu.dma_semaphore, #tpu.memory_space<semaphore_mem>>) src(%arg7 : memref<8192xf32, #tpu.memory_space<vmem>>) dst(%dma_wait3A_57 : memref<8192xf32, #tpu.memory_space<hbm>>)
      tpu.yield
    }) : () -> ()
    %scan3A_12 = arith.constant 0 : i32
    %scan3A_13 = arith.constant 0 : i32
    %scan3A_14 = arith.constant 64 : i32
    %scan3A_15 = arith.addi %scan3A_13, %scan3A_14 : i32
    %scan3A_16 = arith.constant 1 : i32
    scf.for %scan3A_48 = %scan3A_13 to %scan3A_15 step %scan3A_16  : i32 {
      %mul3A_49 = arith.constant 16 : i32
      %mul3A_50 = arith.muli %scan3A_48, %mul3A_49 : i32
      %get3A = arith.index_cast %mul3A_50 : i32 to index
      %get3A_51 = tpu.vector_load %arg6[%get3A] {strides = array<i32>} : memref<1024xi32, #tpu.memory_space<vmem>>, vector<16xi32>,
      %broadcast_in_dim3A = arith.constant 16384 : i32
      %broadcast_in_dim3A_52 = vector.broadcast %broadcast_in_dim3A : i32 to vector<16xi32>
      %add3A_53 = arith.addi %get3A_51, %broadcast_in_dim3A_52 : vector<16xi32>
      %gather3A = tpu.vector_load_idx %arg5[%add3A_53] : memref<65536xf32, #tpu.memory_space<vmem>>[vector<16xi32>], vector<16xf32>,
      %mul3A_54 = arith.constant 16 : i32
      %mul3A_55 = arith.muli %scan3A_48, %mul3A_54 : i32
      %add3A_56 = arith.constant 0 : i32
      %add3A_57 = arith.addi %add3A_56, %mul3A_55 : i32
      %swap3A = arith.index_cast %add3A_57 : i32 to index
      %swap3A_58 = tpu.vector_load %arg7[%swap3A] {strides = array<i32>} : memref<8192xf32, #tpu.memory_space<vmem>>, vector<16xf32>,
      tpu.vector_store %arg7[%swap3A], %gather3A {strides = array<i32>} : memref<8192xf32, #tpu.memory_space<vmem>>, vector<16xf32>,
      %broadcast_in_dim3A_59 = arith.constant 17408 : i32
      %broadcast_in_dim3A_60 = vector.broadcast %broadcast_in_dim3A_59 : i32 to vector<16xi32>
      %add3A_61 = arith.addi %get3A_51, %broadcast_in_dim3A_60 : vector<16xi32>
      %gather3A_62 = tpu.vector_load_idx %arg5[%add3A_61] : memref<65536xf32, #tpu.memory_space<vmem>>[vector<16xi32>], vector<16xf32>,
      %mul3A_63 = arith.constant 16 : i32
      %mul3A_64 = arith.muli %scan3A_48, %mul3A_63 : i32
      %add3A_65 = arith.constant 1024 : i32
      %add3A_66 = arith.addi %add3A_65, %mul3A_64 : i32
      %swap3A_67 = arith.index_cast %add3A_66 : i32 to index
      %swap3A_68 = tpu.vector_load %arg7[%swap3A_67] {strides = array<i32>} : memref<8192xf32, #tpu.memory_space<vmem>>, vector<16xf32>,
      tpu.vector_store %arg7[%swap3A_67], %gather3A_62 {strides = array<i32>} : memref<8192xf32, #tpu.memory_space<vmem>>, vector<16xf32>,
      %broadcast_in_dim3A_69 = arith.constant 18432 : i32
      %broadcast_in_dim3A_70 = vector.broadcast %broadcast_in_dim3A_69 : i32 to vector<16xi32>
      %add3A_71 = arith.addi %get3A_51, %broadcast_in_dim3A_70 : vector<16xi32>
      %gather3A_72 = tpu.vector_load_idx %arg5[%add3A_71] : memref<65536xf32, #tpu.memory_space<vmem>>[vector<16xi32>], vector<16xf32>,
      %mul3A_73 = arith.constant 16 : i32
      %mul3A_74 = arith.muli %scan3A_48, %mul3A_73 : i32
      %add3A_75 = arith.constant 2048 : i32
      %add3A_76 = arith.addi %add3A_75, %mul3A_74 : i32
      %swap3A_77 = arith.index_cast %add3A_76 : i32 to index
      %swap3A_78 = tpu.vector_load %arg7[%swap3A_77] {strides = array<i32>} : memref<8192xf32, #tpu.memory_space<vmem>>, vector<16xf32>,
      tpu.vector_store %arg7[%swap3A_77], %gather3A_72 {strides = array<i32>} : memref<8192xf32, #tpu.memory_space<vmem>>, vector<16xf32>,
      %broadcast_in_dim3A_79 = arith.constant 19456 : i32
      %broadcast_in_dim3A_80 = vector.broadcast %broadcast_in_dim3A_79 : i32 to vector<16xi32>
      %add3A_81 = arith.addi %get3A_51, %broadcast_in_dim3A_80 : vector<16xi32>
      %gather3A_82 = tpu.vector_load_idx %arg5[%add3A_81] : memref<65536xf32, #tpu.memory_space<vmem>>[vector<16xi32>], vector<16xf32>,
      %mul3A_83 = arith.constant 16 : i32
      %mul3A_84 = arith.muli %scan3A_48, %mul3A_83 : i32
      %add3A_85 = arith.constant 3072 : i32
      %add3A_86 = arith.addi %add3A_85, %mul3A_84 : i32
      %swap3A_87 = arith.index_cast %add3A_86 : i32 to index
      %swap3A_88 = tpu.vector_load %arg7[%swap3A_87] {strides = array<i32>} : memref<8192xf32, #tpu.memory_space<vmem>>, vector<16xf32>,
      tpu.vector_store %arg7[%swap3A_87], %gather3A_82 {strides = array<i32>} : memref<8192xf32, #tpu.memory_space<vmem>>, vector<16xf32>,
      %broadcast_in_dim3A_89 = arith.constant 20480 : i32
      %broadcast_in_dim3A_90 = vector.broadcast %broadcast_in_dim3A_89 : i32 to vector<16xi32>
      %add3A_91 = arith.addi %get3A_51, %broadcast_in_dim3A_90 : vector<16xi32>
      %gather3A_92 = tpu.vector_load_idx %arg5[%add3A_91] : memref<65536xf32, #tpu.memory_space<vmem>>[vector<16xi32>], vector<16xf32>,
      %mul3A_93 = arith.constant 16 : i32
      %mul3A_94 = arith.muli %scan3A_48, %mul3A_93 : i32
      %add3A_95 = arith.constant 4096 : i32
      %add3A_96 = arith.addi %add3A_95, %mul3A_94 : i32
      %swap3A_97 = arith.index_cast %add3A_96 : i32 to index
      %swap3A_98 = tpu.vector_load %arg7[%swap3A_97] {strides = array<i32>} : memref<8192xf32, #tpu.memory_space<vmem>>, vector<16xf32>,
      tpu.vector_store %arg7[%swap3A_97], %gather3A_92 {strides = array<i32>} : memref<8192xf32, #tpu.memory_space<vmem>>, vector<16xf32>,
      %broadcast_in_dim3A_99 = arith.constant 21504 : i32
      %broadcast_in_dim3A_100 = vector.broadcast %broadcast_in_dim3A_99 : i32 to vector<16xi32>
      %add3A_101 = arith.addi %get3A_51, %broadcast_in_dim3A_100 : vector<16xi32>
      %gather3A_102 = tpu.vector_load_idx %arg5[%add3A_101] : memref<65536xf32, #tpu.memory_space<vmem>>[vector<16xi32>], vector<16xf32>,
      %mul3A_103 = arith.constant 16 : i32
      %mul3A_104 = arith.muli %scan3A_48, %mul3A_103 : i32
      %add3A_105 = arith.constant 5120 : i32
      %add3A_106 = arith.addi %add3A_105, %mul3A_104 : i32
      %swap3A_107 = arith.index_cast %add3A_106 : i32 to index
      %swap3A_108 = tpu.vector_load %arg7[%swap3A_107] {strides = array<i32>} : memref<8192xf32, #tpu.memory_space<vmem>>, vector<16xf32>,
      tpu.vector_store %arg7[%swap3A_107], %gather3A_102 {strides = array<i32>} : memref<8192xf32, #tpu.memory_space<vmem>>, vector<16xf32>,
      %broadcast_in_dim3A_109 = arith.constant 22528 : i32
      %broadcast_in_dim3A_110 = vector.broadcast %broadcast_in_dim3A_109 : i32 to vector<16xi32>
      %add3A_111 = arith.addi %get3A_51, %broadcast_in_dim3A_110 : vector<16xi32>
      %gather3A_112 = tpu.vector_load_idx %arg5[%add3A_111] : memref<65536xf32, #tpu.memory_space<vmem>>[vector<16xi32>], vector<16xf32>,
      %mul3A_113 = arith.constant 16 : i32
      %mul3A_114 = arith.muli %scan3A_48, %mul3A_113 : i32
      %add3A_115 = arith.constant 6144 : i32
      %add3A_116 = arith.addi %add3A_115, %mul3A_114 : i32
      %swap3A_117 = arith.index_cast %add3A_116 : i32 to index
      %swap3A_118 = tpu.vector_load %arg7[%swap3A_117] {strides = array<i32>} : memref<8192xf32, #tpu.memory_space<vmem>>, vector<16xf32>,
      tpu.vector_store %arg7[%swap3A_117], %gather3A_112 {strides = array<i32>} : memref<8192xf32, #tpu.memory_space<vmem>>, vector<16xf32>,
      %broadcast_in_dim3A_119 = arith.constant 23552 : i32
      %broadcast_in_dim3A_120 = vector.broadcast %broadcast_in_dim3A_119 : i32 to vector<16xi32>
      %add3A_121 = arith.addi %get3A_51, %broadcast_in_dim3A_120 : vector<16xi32>
      %gather3A_122 = tpu.vector_load_idx %arg5[%add3A_121] : memref<65536xf32, #tpu.memory_space<vmem>>[vector<16xi32>], vector<16xf32>,
      %mul3A_123 = arith.constant 16 : i32
      %mul3A_124 = arith.muli %scan3A_48, %mul3A_123 : i32
      %add3A_125 = arith.constant 7168 : i32
      %add3A_126 = arith.addi %add3A_125, %mul3A_124 : i32
      %swap3A_127 = arith.index_cast %add3A_126 : i32 to index
      %swap3A_128 = tpu.vector_load %arg7[%swap3A_127] {strides = array<i32>} : memref<8192xf32, #tpu.memory_space<vmem>>, vector<16xf32>,
      tpu.vector_store %arg7[%swap3A_127], %gather3A_122 {strides = array<i32>} : memref<8192xf32, #tpu.memory_space<vmem>>, vector<16xf32>,
    }
    %scan3A_17 = arith.constant 64 : i32
    "tpu.region"() ({
      %run_scoped3A = tpu.sem_alloc : memref<!tpu.dma_semaphore, #tpu.memory_space<semaphore_mem>>
      %dma_start3A = arith.constant 16384 : i32
      %dma_start3A_48 = tpu.memref_slice %arg4[%add3A, %dma_start3A] : memref<32x65536xf32, #tpu.memory_space<hbm>> -> memref<1x8192xf32, #tpu.memory_space<hbm>>
      %dma_start3A_49 = tpu.memref_squeeze %dma_start3A_48 : memref<1x8192xf32, #tpu.memory_space<hbm>> -> memref<8192xf32, #tpu.memory_space<hbm>>
      %dma_start3A_50 = arith.constant 16384 : i32
      %dma_start3A_51 = tpu.memref_slice %arg4[%add3A, %dma_start3A_50] : memref<32x65536xf32, #tpu.memory_space<hbm>> -> memref<1x8192xf32, #tpu.memory_space<hbm>>
      %dma_start3A_52 = tpu.memref_squeeze %dma_start3A_51 : memref<1x8192xf32, #tpu.memory_space<hbm>> -> memref<8192xf32, #tpu.memory_space<hbm>>
      tpu.enqueue_dma source(%arg7 : memref<8192xf32, #tpu.memory_space<vmem>>) target(%dma_start3A_52 : memref<8192xf32, #tpu.memory_space<hbm>>) target_semaphore(%run_scoped3A : memref<!tpu.dma_semaphore, #tpu.memory_space<semaphore_mem>>)
      %dma_wait3A = arith.constant 16384 : i32
      %dma_wait3A_53 = tpu.memref_slice %arg4[%add3A, %dma_wait3A] : memref<32x65536xf32, #tpu.memory_space<hbm>> -> memref<1x8192xf32, #tpu.memory_space<hbm>>
      %dma_wait3A_54 = tpu.memref_squeeze %dma_wait3A_53 : memref<1x8192xf32, #tpu.memory_space<hbm>> -> memref<8192xf32, #tpu.memory_space<hbm>>
      %dma_wait3A_55 = arith.constant 16384 : i32
      %dma_wait3A_56 = tpu.memref_slice %arg4[%add3A, %dma_wait3A_55] : memref<32x65536xf32, #tpu.memory_space<hbm>> -> memref<1x8192xf32, #tpu.memory_space<hbm>>
      %dma_wait3A_57 = tpu.memref_squeeze %dma_wait3A_56 : memref<1x8192xf32, #tpu.memory_space<hbm>> -> memref<8192xf32, #tpu.memory_space<hbm>>
      tpu.wait_dma2 semaphore(%run_scoped3A : memref<!tpu.dma_semaphore, #tpu.memory_space<semaphore_mem>>) src(%arg7 : memref<8192xf32, #tpu.memory_space<vmem>>) dst(%dma_wait3A_57 : memref<8192xf32, #tpu.memory_space<hbm>>)
      tpu.yield
    }) : () -> ()
    %scan3A_18 = arith.constant 0 : i32
    %scan3A_19 = arith.constant 0 : i32
    %scan3A_20 = arith.constant 64 : i32
    %scan3A_21 = arith.addi %scan3A_19, %scan3A_20 : i32
    %scan3A_22 = arith.constant 1 : i32
    scf.for %scan3A_48 = %scan3A_19 to %scan3A_21 step %scan3A_22  : i32 {
      %mul3A_49 = arith.constant 16 : i32
      %mul3A_50 = arith.muli %scan3A_48, %mul3A_49 : i32
      %get3A = arith.index_cast %mul3A_50 : i32 to index
      %get3A_51 = tpu.vector_load %arg6[%get3A] {strides = array<i32>} : memref<1024xi32, #tpu.memory_space<vmem>>, vector<16xi32>,
      %broadcast_in_dim3A = arith.constant 24576 : i32
      %broadcast_in_dim3A_52 = vector.broadcast %broadcast_in_dim3A : i32 to vector<16xi32>
      %add3A_53 = arith.addi %get3A_51, %broadcast_in_dim3A_52 : vector<16xi32>
      %gather3A = tpu.vector_load_idx %arg5[%add3A_53] : memref<65536xf32, #tpu.memory_space<vmem>>[vector<16xi32>], vector<16xf32>,
      %mul3A_54 = arith.constant 16 : i32
      %mul3A_55 = arith.muli %scan3A_48, %mul3A_54 : i32
      %add3A_56 = arith.constant 0 : i32
      %add3A_57 = arith.addi %add3A_56, %mul3A_55 : i32
      %swap3A = arith.index_cast %add3A_57 : i32 to index
      %swap3A_58 = tpu.vector_load %arg7[%swap3A] {strides = array<i32>} : memref<8192xf32, #tpu.memory_space<vmem>>, vector<16xf32>,
      tpu.vector_store %arg7[%swap3A], %gather3A {strides = array<i32>} : memref<8192xf32, #tpu.memory_space<vmem>>, vector<16xf32>,
      %broadcast_in_dim3A_59 = arith.constant 25600 : i32
      %broadcast_in_dim3A_60 = vector.broadcast %broadcast_in_dim3A_59 : i32 to vector<16xi32>
      %add3A_61 = arith.addi %get3A_51, %broadcast_in_dim3A_60 : vector<16xi32>
      %gather3A_62 = tpu.vector_load_idx %arg5[%add3A_61] : memref<65536xf32, #tpu.memory_space<vmem>>[vector<16xi32>], vector<16xf32>,
      %mul3A_63 = arith.constant 16 : i32
      %mul3A_64 = arith.muli %scan3A_48, %mul3A_63 : i32
      %add3A_65 = arith.constant 1024 : i32
      %add3A_66 = arith.addi %add3A_65, %mul3A_64 : i32
      %swap3A_67 = arith.index_cast %add3A_66 : i32 to index
      %swap3A_68 = tpu.vector_load %arg7[%swap3A_67] {strides = array<i32>} : memref<8192xf32, #tpu.memory_space<vmem>>, vector<16xf32>,
      tpu.vector_store %arg7[%swap3A_67], %gather3A_62 {strides = array<i32>} : memref<8192xf32, #tpu.memory_space<vmem>>, vector<16xf32>,
      %broadcast_in_dim3A_69 = arith.constant 26624 : i32
      %broadcast_in_dim3A_70 = vector.broadcast %broadcast_in_dim3A_69 : i32 to vector<16xi32>
      %add3A_71 = arith.addi %get3A_51, %broadcast_in_dim3A_70 : vector<16xi32>
      %gather3A_72 = tpu.vector_load_idx %arg5[%add3A_71] : memref<65536xf32, #tpu.memory_space<vmem>>[vector<16xi32>], vector<16xf32>,
      %mul3A_73 = arith.constant 16 : i32
      %mul3A_74 = arith.muli %scan3A_48, %mul3A_73 : i32
      %add3A_75 = arith.constant 2048 : i32
      %add3A_76 = arith.addi %add3A_75, %mul3A_74 : i32
      %swap3A_77 = arith.index_cast %add3A_76 : i32 to index
      %swap3A_78 = tpu.vector_load %arg7[%swap3A_77] {strides = array<i32>} : memref<8192xf32, #tpu.memory_space<vmem>>, vector<16xf32>,
      tpu.vector_store %arg7[%swap3A_77], %gather3A_72 {strides = array<i32>} : memref<8192xf32, #tpu.memory_space<vmem>>, vector<16xf32>,
      %broadcast_in_dim3A_79 = arith.constant 27648 : i32
      %broadcast_in_dim3A_80 = vector.broadcast %broadcast_in_dim3A_79 : i32 to vector<16xi32>
      %add3A_81 = arith.addi %get3A_51, %broadcast_in_dim3A_80 : vector<16xi32>
      %gather3A_82 = tpu.vector_load_idx %arg5[%add3A_81] : memref<65536xf32, #tpu.memory_space<vmem>>[vector<16xi32>], vector<16xf32>,
      %mul3A_83 = arith.constant 16 : i32
      %mul3A_84 = arith.muli %scan3A_48, %mul3A_83 : i32
      %add3A_85 = arith.constant 3072 : i32
      %add3A_86 = arith.addi %add3A_85, %mul3A_84 : i32
      %swap3A_87 = arith.index_cast %add3A_86 : i32 to index
      %swap3A_88 = tpu.vector_load %arg7[%swap3A_87] {strides = array<i32>} : memref<8192xf32, #tpu.memory_space<vmem>>, vector<16xf32>,
      tpu.vector_store %arg7[%swap3A_87], %gather3A_82 {strides = array<i32>} : memref<8192xf32, #tpu.memory_space<vmem>>, vector<16xf32>,
      %broadcast_in_dim3A_89 = arith.constant 28672 : i32
      %broadcast_in_dim3A_90 = vector.broadcast %broadcast_in_dim3A_89 : i32 to vector<16xi32>
      %add3A_91 = arith.addi %get3A_51, %broadcast_in_dim3A_90 : vector<16xi32>
      %gather3A_92 = tpu.vector_load_idx %arg5[%add3A_91] : memref<65536xf32, #tpu.memory_space<vmem>>[vector<16xi32>], vector<16xf32>,
      %mul3A_93 = arith.constant 16 : i32
      %mul3A_94 = arith.muli %scan3A_48, %mul3A_93 : i32
      %add3A_95 = arith.constant 4096 : i32
      %add3A_96 = arith.addi %add3A_95, %mul3A_94 : i32
      %swap3A_97 = arith.index_cast %add3A_96 : i32 to index
      %swap3A_98 = tpu.vector_load %arg7[%swap3A_97] {strides = array<i32>} : memref<8192xf32, #tpu.memory_space<vmem>>, vector<16xf32>,
      tpu.vector_store %arg7[%swap3A_97], %gather3A_92 {strides = array<i32>} : memref<8192xf32, #tpu.memory_space<vmem>>, vector<16xf32>,
      %broadcast_in_dim3A_99 = arith.constant 29696 : i32
      %broadcast_in_dim3A_100 = vector.broadcast %broadcast_in_dim3A_99 : i32 to vector<16xi32>
      %add3A_101 = arith.addi %get3A_51, %broadcast_in_dim3A_100 : vector<16xi32>
      %gather3A_102 = tpu.vector_load_idx %arg5[%add3A_101] : memref<65536xf32, #tpu.memory_space<vmem>>[vector<16xi32>], vector<16xf32>,
      %mul3A_103 = arith.constant 16 : i32
      %mul3A_104 = arith.muli %scan3A_48, %mul3A_103 : i32
      %add3A_105 = arith.constant 5120 : i32
      %add3A_106 = arith.addi %add3A_105, %mul3A_104 : i32
      %swap3A_107 = arith.index_cast %add3A_106 : i32 to index
      %swap3A_108 = tpu.vector_load %arg7[%swap3A_107] {strides = array<i32>} : memref<8192xf32, #tpu.memory_space<vmem>>, vector<16xf32>,
      tpu.vector_store %arg7[%swap3A_107], %gather3A_102 {strides = array<i32>} : memref<8192xf32, #tpu.memory_space<vmem>>, vector<16xf32>,
      %broadcast_in_dim3A_109 = arith.constant 30720 : i32
      %broadcast_in_dim3A_110 = vector.broadcast %broadcast_in_dim3A_109 : i32 to vector<16xi32>
      %add3A_111 = arith.addi %get3A_51, %broadcast_in_dim3A_110 : vector<16xi32>
      %gather3A_112 = tpu.vector_load_idx %arg5[%add3A_111] : memref<65536xf32, #tpu.memory_space<vmem>>[vector<16xi32>], vector<16xf32>,
      %mul3A_113 = arith.constant 16 : i32
      %mul3A_114 = arith.muli %scan3A_48, %mul3A_113 : i32
      %add3A_115 = arith.constant 6144 : i32
      %add3A_116 = arith.addi %add3A_115, %mul3A_114 : i32
      %swap3A_117 = arith.index_cast %add3A_116 : i32 to index
      %swap3A_118 = tpu.vector_load %arg7[%swap3A_117] {strides = array<i32>} : memref<8192xf32, #tpu.memory_space<vmem>>, vector<16xf32>,
      tpu.vector_store %arg7[%swap3A_117], %gather3A_112 {strides = array<i32>} : memref<8192xf32, #tpu.memory_space<vmem>>, vector<16xf32>,
      %broadcast_in_dim3A_119 = arith.constant 31744 : i32
      %broadcast_in_dim3A_120 = vector.broadcast %broadcast_in_dim3A_119 : i32 to vector<16xi32>
      %add3A_121 = arith.addi %get3A_51, %broadcast_in_dim3A_120 : vector<16xi32>
      %gather3A_122 = tpu.vector_load_idx %arg5[%add3A_121] : memref<65536xf32, #tpu.memory_space<vmem>>[vector<16xi32>], vector<16xf32>,
      %mul3A_123 = arith.constant 16 : i32
      %mul3A_124 = arith.muli %scan3A_48, %mul3A_123 : i32
      %add3A_125 = arith.constant 7168 : i32
      %add3A_126 = arith.addi %add3A_125, %mul3A_124 : i32
      %swap3A_127 = arith.index_cast %add3A_126 : i32 to index
      %swap3A_128 = tpu.vector_load %arg7[%swap3A_127] {strides = array<i32>} : memref<8192xf32, #tpu.memory_space<vmem>>, vector<16xf32>,
      tpu.vector_store %arg7[%swap3A_127], %gather3A_122 {strides = array<i32>} : memref<8192xf32, #tpu.memory_space<vmem>>, vector<16xf32>,
    }
    %scan3A_23 = arith.constant 64 : i32
    "tpu.region"() ({
      %run_scoped3A = tpu.sem_alloc : memref<!tpu.dma_semaphore, #tpu.memory_space<semaphore_mem>>
      %dma_start3A = arith.constant 24576 : i32
      %dma_start3A_48 = tpu.memref_slice %arg4[%add3A, %dma_start3A] : memref<32x65536xf32, #tpu.memory_space<hbm>> -> memref<1x8192xf32, #tpu.memory_space<hbm>>
      %dma_start3A_49 = tpu.memref_squeeze %dma_start3A_48 : memref<1x8192xf32, #tpu.memory_space<hbm>> -> memref<8192xf32, #tpu.memory_space<hbm>>
      %dma_start3A_50 = arith.constant 24576 : i32
      %dma_start3A_51 = tpu.memref_slice %arg4[%add3A, %dma_start3A_50] : memref<32x65536xf32, #tpu.memory_space<hbm>> -> memref<1x8192xf32, #tpu.memory_space<hbm>>
      %dma_start3A_52 = tpu.memref_squeeze %dma_start3A_51 : memref<1x8192xf32, #tpu.memory_space<hbm>> -> memref<8192xf32, #tpu.memory_space<hbm>>
      tpu.enqueue_dma source(%arg7 : memref<8192xf32, #tpu.memory_space<vmem>>) target(%dma_start3A_52 : memref<8192xf32, #tpu.memory_space<hbm>>) target_semaphore(%run_scoped3A : memref<!tpu.dma_semaphore, #tpu.memory_space<semaphore_mem>>)
      %dma_wait3A = arith.constant 24576 : i32
      %dma_wait3A_53 = tpu.memref_slice %arg4[%add3A, %dma_wait3A] : memref<32x65536xf32, #tpu.memory_space<hbm>> -> memref<1x8192xf32, #tpu.memory_space<hbm>>
      %dma_wait3A_54 = tpu.memref_squeeze %dma_wait3A_53 : memref<1x8192xf32, #tpu.memory_space<hbm>> -> memref<8192xf32, #tpu.memory_space<hbm>>
      %dma_wait3A_55 = arith.constant 24576 : i32
      %dma_wait3A_56 = tpu.memref_slice %arg4[%add3A, %dma_wait3A_55] : memref<32x65536xf32, #tpu.memory_space<hbm>> -> memref<1x8192xf32, #tpu.memory_space<hbm>>
      %dma_wait3A_57 = tpu.memref_squeeze %dma_wait3A_56 : memref<1x8192xf32, #tpu.memory_space<hbm>> -> memref<8192xf32, #tpu.memory_space<hbm>>
      tpu.wait_dma2 semaphore(%run_scoped3A : memref<!tpu.dma_semaphore, #tpu.memory_space<semaphore_mem>>) src(%arg7 : memref<8192xf32, #tpu.memory_space<vmem>>) dst(%dma_wait3A_57 : memref<8192xf32, #tpu.memory_space<hbm>>)
      tpu.yield
    }) : () -> ()
    %scan3A_24 = arith.constant 0 : i32
    %scan3A_25 = arith.constant 0 : i32
    %scan3A_26 = arith.constant 64 : i32
    %scan3A_27 = arith.addi %scan3A_25, %scan3A_26 : i32
    %scan3A_28 = arith.constant 1 : i32
    scf.for %scan3A_48 = %scan3A_25 to %scan3A_27 step %scan3A_28  : i32 {
      %mul3A_49 = arith.constant 16 : i32
      %mul3A_50 = arith.muli %scan3A_48, %mul3A_49 : i32
      %get3A = arith.index_cast %mul3A_50 : i32 to index
      %get3A_51 = tpu.vector_load %arg6[%get3A] {strides = array<i32>} : memref<1024xi32, #tpu.memory_space<vmem>>, vector<16xi32>,
      %broadcast_in_dim3A = arith.constant 32768 : i32
      %broadcast_in_dim3A_52 = vector.broadcast %broadcast_in_dim3A : i32 to vector<16xi32>
      %add3A_53 = arith.addi %get3A_51, %broadcast_in_dim3A_52 : vector<16xi32>
      %gather3A = tpu.vector_load_idx %arg5[%add3A_53] : memref<65536xf32, #tpu.memory_space<vmem>>[vector<16xi32>], vector<16xf32>,
      %mul3A_54 = arith.constant 16 : i32
      %mul3A_55 = arith.muli %scan3A_48, %mul3A_54 : i32
      %add3A_56 = arith.constant 0 : i32
      %add3A_57 = arith.addi %add3A_56, %mul3A_55 : i32
      %swap3A = arith.index_cast %add3A_57 : i32 to index
      %swap3A_58 = tpu.vector_load %arg7[%swap3A] {strides = array<i32>} : memref<8192xf32, #tpu.memory_space<vmem>>, vector<16xf32>,
      tpu.vector_store %arg7[%swap3A], %gather3A {strides = array<i32>} : memref<8192xf32, #tpu.memory_space<vmem>>, vector<16xf32>,
      %broadcast_in_dim3A_59 = arith.constant 33792 : i32
      %broadcast_in_dim3A_60 = vector.broadcast %broadcast_in_dim3A_59 : i32 to vector<16xi32>
      %add3A_61 = arith.addi %get3A_51, %broadcast_in_dim3A_60 : vector<16xi32>
      %gather3A_62 = tpu.vector_load_idx %arg5[%add3A_61] : memref<65536xf32, #tpu.memory_space<vmem>>[vector<16xi32>], vector<16xf32>,
      %mul3A_63 = arith.constant 16 : i32
      %mul3A_64 = arith.muli %scan3A_48, %mul3A_63 : i32
      %add3A_65 = arith.constant 1024 : i32
      %add3A_66 = arith.addi %add3A_65, %mul3A_64 : i32
      %swap3A_67 = arith.index_cast %add3A_66 : i32 to index
      %swap3A_68 = tpu.vector_load %arg7[%swap3A_67] {strides = array<i32>} : memref<8192xf32, #tpu.memory_space<vmem>>, vector<16xf32>,
      tpu.vector_store %arg7[%swap3A_67], %gather3A_62 {strides = array<i32>} : memref<8192xf32, #tpu.memory_space<vmem>>, vector<16xf32>,
      %broadcast_in_dim3A_69 = arith.constant 34816 : i32
      %broadcast_in_dim3A_70 = vector.broadcast %broadcast_in_dim3A_69 : i32 to vector<16xi32>
      %add3A_71 = arith.addi %get3A_51, %broadcast_in_dim3A_70 : vector<16xi32>
      %gather3A_72 = tpu.vector_load_idx %arg5[%add3A_71] : memref<65536xf32, #tpu.memory_space<vmem>>[vector<16xi32>], vector<16xf32>,
      %mul3A_73 = arith.constant 16 : i32
      %mul3A_74 = arith.muli %scan3A_48, %mul3A_73 : i32
      %add3A_75 = arith.constant 2048 : i32
      %add3A_76 = arith.addi %add3A_75, %mul3A_74 : i32
      %swap3A_77 = arith.index_cast %add3A_76 : i32 to index
      %swap3A_78 = tpu.vector_load %arg7[%swap3A_77] {strides = array<i32>} : memref<8192xf32, #tpu.memory_space<vmem>>, vector<16xf32>,
      tpu.vector_store %arg7[%swap3A_77], %gather3A_72 {strides = array<i32>} : memref<8192xf32, #tpu.memory_space<vmem>>, vector<16xf32>,
      %broadcast_in_dim3A_79 = arith.constant 35840 : i32
      %broadcast_in_dim3A_80 = vector.broadcast %broadcast_in_dim3A_79 : i32 to vector<16xi32>
      %add3A_81 = arith.addi %get3A_51, %broadcast_in_dim3A_80 : vector<16xi32>
      %gather3A_82 = tpu.vector_load_idx %arg5[%add3A_81] : memref<65536xf32, #tpu.memory_space<vmem>>[vector<16xi32>], vector<16xf32>,
      %mul3A_83 = arith.constant 16 : i32
      %mul3A_84 = arith.muli %scan3A_48, %mul3A_83 : i32
      %add3A_85 = arith.constant 3072 : i32
      %add3A_86 = arith.addi %add3A_85, %mul3A_84 : i32
      %swap3A_87 = arith.index_cast %add3A_86 : i32 to index
      %swap3A_88 = tpu.vector_load %arg7[%swap3A_87] {strides = array<i32>} : memref<8192xf32, #tpu.memory_space<vmem>>, vector<16xf32>,
      tpu.vector_store %arg7[%swap3A_87], %gather3A_82 {strides = array<i32>} : memref<8192xf32, #tpu.memory_space<vmem>>, vector<16xf32>,
      %broadcast_in_dim3A_89 = arith.constant 36864 : i32
      %broadcast_in_dim3A_90 = vector.broadcast %broadcast_in_dim3A_89 : i32 to vector<16xi32>
      %add3A_91 = arith.addi %get3A_51, %broadcast_in_dim3A_90 : vector<16xi32>
      %gather3A_92 = tpu.vector_load_idx %arg5[%add3A_91] : memref<65536xf32, #tpu.memory_space<vmem>>[vector<16xi32>], vector<16xf32>,
      %mul3A_93 = arith.constant 16 : i32
      %mul3A_94 = arith.muli %scan3A_48, %mul3A_93 : i32
      %add3A_95 = arith.constant 4096 : i32
      %add3A_96 = arith.addi %add3A_95, %mul3A_94 : i32
      %swap3A_97 = arith.index_cast %add3A_96 : i32 to index
      %swap3A_98 = tpu.vector_load %arg7[%swap3A_97] {strides = array<i32>} : memref<8192xf32, #tpu.memory_space<vmem>>, vector<16xf32>,
      tpu.vector_store %arg7[%swap3A_97], %gather3A_92 {strides = array<i32>} : memref<8192xf32, #tpu.memory_space<vmem>>, vector<16xf32>,
      %broadcast_in_dim3A_99 = arith.constant 37888 : i32
      %broadcast_in_dim3A_100 = vector.broadcast %broadcast_in_dim3A_99 : i32 to vector<16xi32>
      %add3A_101 = arith.addi %get3A_51, %broadcast_in_dim3A_100 : vector<16xi32>
      %gather3A_102 = tpu.vector_load_idx %arg5[%add3A_101] : memref<65536xf32, #tpu.memory_space<vmem>>[vector<16xi32>], vector<16xf32>,
      %mul3A_103 = arith.constant 16 : i32
      %mul3A_104 = arith.muli %scan3A_48, %mul3A_103 : i32
      %add3A_105 = arith.constant 5120 : i32
      %add3A_106 = arith.addi %add3A_105, %mul3A_104 : i32
      %swap3A_107 = arith.index_cast %add3A_106 : i32 to index
      %swap3A_108 = tpu.vector_load %arg7[%swap3A_107] {strides = array<i32>} : memref<8192xf32, #tpu.memory_space<vmem>>, vector<16xf32>,
      tpu.vector_store %arg7[%swap3A_107], %gather3A_102 {strides = array<i32>} : memref<8192xf32, #tpu.memory_space<vmem>>, vector<16xf32>,
      %broadcast_in_dim3A_109 = arith.constant 38912 : i32
      %broadcast_in_dim3A_110 = vector.broadcast %broadcast_in_dim3A_109 : i32 to vector<16xi32>
      %add3A_111 = arith.addi %get3A_51, %broadcast_in_dim3A_110 : vector<16xi32>
      %gather3A_112 = tpu.vector_load_idx %arg5[%add3A_111] : memref<65536xf32, #tpu.memory_space<vmem>>[vector<16xi32>], vector<16xf32>,
      %mul3A_113 = arith.constant 16 : i32
      %mul3A_114 = arith.muli %scan3A_48, %mul3A_113 : i32
      %add3A_115 = arith.constant 6144 : i32
      %add3A_116 = arith.addi %add3A_115, %mul3A_114 : i32
      %swap3A_117 = arith.index_cast %add3A_116 : i32 to index
      %swap3A_118 = tpu.vector_load %arg7[%swap3A_117] {strides = array<i32>} : memref<8192xf32, #tpu.memory_space<vmem>>, vector<16xf32>,
      tpu.vector_store %arg7[%swap3A_117], %gather3A_112 {strides = array<i32>} : memref<8192xf32, #tpu.memory_space<vmem>>, vector<16xf32>,
      %broadcast_in_dim3A_119 = arith.constant 39936 : i32
      %broadcast_in_dim3A_120 = vector.broadcast %broadcast_in_dim3A_119 : i32 to vector<16xi32>
      %add3A_121 = arith.addi %get3A_51, %broadcast_in_dim3A_120 : vector<16xi32>
      %gather3A_122 = tpu.vector_load_idx %arg5[%add3A_121] : memref<65536xf32, #tpu.memory_space<vmem>>[vector<16xi32>], vector<16xf32>,
      %mul3A_123 = arith.constant 16 : i32
      %mul3A_124 = arith.muli %scan3A_48, %mul3A_123 : i32
      %add3A_125 = arith.constant 7168 : i32
      %add3A_126 = arith.addi %add3A_125, %mul3A_124 : i32
      %swap3A_127 = arith.index_cast %add3A_126 : i32 to index
      %swap3A_128 = tpu.vector_load %arg7[%swap3A_127] {strides = array<i32>} : memref<8192xf32, #tpu.memory_space<vmem>>, vector<16xf32>,
      tpu.vector_store %arg7[%swap3A_127], %gather3A_122 {strides = array<i32>} : memref<8192xf32, #tpu.memory_space<vmem>>, vector<16xf32>,
    }
    %scan3A_29 = arith.constant 64 : i32
    "tpu.region"() ({
      %run_scoped3A = tpu.sem_alloc : memref<!tpu.dma_semaphore, #tpu.memory_space<semaphore_mem>>
      %dma_start3A = arith.constant 32768 : i32
      %dma_start3A_48 = tpu.memref_slice %arg4[%add3A, %dma_start3A] : memref<32x65536xf32, #tpu.memory_space<hbm>> -> memref<1x8192xf32, #tpu.memory_space<hbm>>
      %dma_start3A_49 = tpu.memref_squeeze %dma_start3A_48 : memref<1x8192xf32, #tpu.memory_space<hbm>> -> memref<8192xf32, #tpu.memory_space<hbm>>
      %dma_start3A_50 = arith.constant 32768 : i32
      %dma_start3A_51 = tpu.memref_slice %arg4[%add3A, %dma_start3A_50] : memref<32x65536xf32, #tpu.memory_space<hbm>> -> memref<1x8192xf32, #tpu.memory_space<hbm>>
      %dma_start3A_52 = tpu.memref_squeeze %dma_start3A_51 : memref<1x8192xf32, #tpu.memory_space<hbm>> -> memref<8192xf32, #tpu.memory_space<hbm>>
      tpu.enqueue_dma source(%arg7 : memref<8192xf32, #tpu.memory_space<vmem>>) target(%dma_start3A_52 : memref<8192xf32, #tpu.memory_space<hbm>>) target_semaphore(%run_scoped3A : memref<!tpu.dma_semaphore, #tpu.memory_space<semaphore_mem>>)
      %dma_wait3A = arith.constant 32768 : i32
      %dma_wait3A_53 = tpu.memref_slice %arg4[%add3A, %dma_wait3A] : memref<32x65536xf32, #tpu.memory_space<hbm>> -> memref<1x8192xf32, #tpu.memory_space<hbm>>
      %dma_wait3A_54 = tpu.memref_squeeze %dma_wait3A_53 : memref<1x8192xf32, #tpu.memory_space<hbm>> -> memref<8192xf32, #tpu.memory_space<hbm>>
      %dma_wait3A_55 = arith.constant 32768 : i32
      %dma_wait3A_56 = tpu.memref_slice %arg4[%add3A, %dma_wait3A_55] : memref<32x65536xf32, #tpu.memory_space<hbm>> -> memref<1x8192xf32, #tpu.memory_space<hbm>>
      %dma_wait3A_57 = tpu.memref_squeeze %dma_wait3A_56 : memref<1x8192xf32, #tpu.memory_space<hbm>> -> memref<8192xf32, #tpu.memory_space<hbm>>
      tpu.wait_dma2 semaphore(%run_scoped3A : memref<!tpu.dma_semaphore, #tpu.memory_space<semaphore_mem>>) src(%arg7 : memref<8192xf32, #tpu.memory_space<vmem>>) dst(%dma_wait3A_57 : memref<8192xf32, #tpu.memory_space<hbm>>)
      tpu.yield
    }) : () -> ()
    %scan3A_30 = arith.constant 0 : i32
    %scan3A_31 = arith.constant 0 : i32
    %scan3A_32 = arith.constant 64 : i32
    %scan3A_33 = arith.addi %scan3A_31, %scan3A_32 : i32
    %scan3A_34 = arith.constant 1 : i32
    scf.for %scan3A_48 = %scan3A_31 to %scan3A_33 step %scan3A_34  : i32 {
      %mul3A_49 = arith.constant 16 : i32
      %mul3A_50 = arith.muli %scan3A_48, %mul3A_49 : i32
      %get3A = arith.index_cast %mul3A_50 : i32 to index
      %get3A_51 = tpu.vector_load %arg6[%get3A] {strides = array<i32>} : memref<1024xi32, #tpu.memory_space<vmem>>, vector<16xi32>,
      %broadcast_in_dim3A = arith.constant 40960 : i32
      %broadcast_in_dim3A_52 = vector.broadcast %broadcast_in_dim3A : i32 to vector<16xi32>
      %add3A_53 = arith.addi %get3A_51, %broadcast_in_dim3A_52 : vector<16xi32>
      %gather3A = tpu.vector_load_idx %arg5[%add3A_53] : memref<65536xf32, #tpu.memory_space<vmem>>[vector<16xi32>], vector<16xf32>,
      %mul3A_54 = arith.constant 16 : i32
      %mul3A_55 = arith.muli %scan3A_48, %mul3A_54 : i32
      %add3A_56 = arith.constant 0 : i32
      %add3A_57 = arith.addi %add3A_56, %mul3A_55 : i32
      %swap3A = arith.index_cast %add3A_57 : i32 to index
      %swap3A_58 = tpu.vector_load %arg7[%swap3A] {strides = array<i32>} : memref<8192xf32, #tpu.memory_space<vmem>>, vector<16xf32>,
      tpu.vector_store %arg7[%swap3A], %gather3A {strides = array<i32>} : memref<8192xf32, #tpu.memory_space<vmem>>, vector<16xf32>,
      %broadcast_in_dim3A_59 = arith.constant 41984 : i32
      %broadcast_in_dim3A_60 = vector.broadcast %broadcast_in_dim3A_59 : i32 to vector<16xi32>
      %add3A_61 = arith.addi %get3A_51, %broadcast_in_dim3A_60 : vector<16xi32>
      %gather3A_62 = tpu.vector_load_idx %arg5[%add3A_61] : memref<65536xf32, #tpu.memory_space<vmem>>[vector<16xi32>], vector<16xf32>,
      %mul3A_63 = arith.constant 16 : i32
      %mul3A_64 = arith.muli %scan3A_48, %mul3A_63 : i32
      %add3A_65 = arith.constant 1024 : i32
      %add3A_66 = arith.addi %add3A_65, %mul3A_64 : i32
      %swap3A_67 = arith.index_cast %add3A_66 : i32 to index
      %swap3A_68 = tpu.vector_load %arg7[%swap3A_67] {strides = array<i32>} : memref<8192xf32, #tpu.memory_space<vmem>>, vector<16xf32>,
      tpu.vector_store %arg7[%swap3A_67], %gather3A_62 {strides = array<i32>} : memref<8192xf32, #tpu.memory_space<vmem>>, vector<16xf32>,
      %broadcast_in_dim3A_69 = arith.constant 43008 : i32
      %broadcast_in_dim3A_70 = vector.broadcast %broadcast_in_dim3A_69 : i32 to vector<16xi32>
      %add3A_71 = arith.addi %get3A_51, %broadcast_in_dim3A_70 : vector<16xi32>
      %gather3A_72 = tpu.vector_load_idx %arg5[%add3A_71] : memref<65536xf32, #tpu.memory_space<vmem>>[vector<16xi32>], vector<16xf32>,
      %mul3A_73 = arith.constant 16 : i32
      %mul3A_74 = arith.muli %scan3A_48, %mul3A_73 : i32
      %add3A_75 = arith.constant 2048 : i32
      %add3A_76 = arith.addi %add3A_75, %mul3A_74 : i32
      %swap3A_77 = arith.index_cast %add3A_76 : i32 to index
      %swap3A_78 = tpu.vector_load %arg7[%swap3A_77] {strides = array<i32>} : memref<8192xf32, #tpu.memory_space<vmem>>, vector<16xf32>,
      tpu.vector_store %arg7[%swap3A_77], %gather3A_72 {strides = array<i32>} : memref<8192xf32, #tpu.memory_space<vmem>>, vector<16xf32>,
      %broadcast_in_dim3A_79 = arith.constant 44032 : i32
      %broadcast_in_dim3A_80 = vector.broadcast %broadcast_in_dim3A_79 : i32 to vector<16xi32>
      %add3A_81 = arith.addi %get3A_51, %broadcast_in_dim3A_80 : vector<16xi32>
      %gather3A_82 = tpu.vector_load_idx %arg5[%add3A_81] : memref<65536xf32, #tpu.memory_space<vmem>>[vector<16xi32>], vector<16xf32>,
      %mul3A_83 = arith.constant 16 : i32
      %mul3A_84 = arith.muli %scan3A_48, %mul3A_83 : i32
      %add3A_85 = arith.constant 3072 : i32
      %add3A_86 = arith.addi %add3A_85, %mul3A_84 : i32
      %swap3A_87 = arith.index_cast %add3A_86 : i32 to index
      %swap3A_88 = tpu.vector_load %arg7[%swap3A_87] {strides = array<i32>} : memref<8192xf32, #tpu.memory_space<vmem>>, vector<16xf32>,
      tpu.vector_store %arg7[%swap3A_87], %gather3A_82 {strides = array<i32>} : memref<8192xf32, #tpu.memory_space<vmem>>, vector<16xf32>,
      %broadcast_in_dim3A_89 = arith.constant 45056 : i32
      %broadcast_in_dim3A_90 = vector.broadcast %broadcast_in_dim3A_89 : i32 to vector<16xi32>
      %add3A_91 = arith.addi %get3A_51, %broadcast_in_dim3A_90 : vector<16xi32>
      %gather3A_92 = tpu.vector_load_idx %arg5[%add3A_91] : memref<65536xf32, #tpu.memory_space<vmem>>[vector<16xi32>], vector<16xf32>,
      %mul3A_93 = arith.constant 16 : i32
      %mul3A_94 = arith.muli %scan3A_48, %mul3A_93 : i32
      %add3A_95 = arith.constant 4096 : i32
      %add3A_96 = arith.addi %add3A_95, %mul3A_94 : i32
      %swap3A_97 = arith.index_cast %add3A_96 : i32 to index
      %swap3A_98 = tpu.vector_load %arg7[%swap3A_97] {strides = array<i32>} : memref<8192xf32, #tpu.memory_space<vmem>>, vector<16xf32>,
      tpu.vector_store %arg7[%swap3A_97], %gather3A_92 {strides = array<i32>} : memref<8192xf32, #tpu.memory_space<vmem>>, vector<16xf32>,
      %broadcast_in_dim3A_99 = arith.constant 46080 : i32
      %broadcast_in_dim3A_100 = vector.broadcast %broadcast_in_dim3A_99 : i32 to vector<16xi32>
      %add3A_101 = arith.addi %get3A_51, %broadcast_in_dim3A_100 : vector<16xi32>
      %gather3A_102 = tpu.vector_load_idx %arg5[%add3A_101] : memref<65536xf32, #tpu.memory_space<vmem>>[vector<16xi32>], vector<16xf32>,
      %mul3A_103 = arith.constant 16 : i32
      %mul3A_104 = arith.muli %scan3A_48, %mul3A_103 : i32
      %add3A_105 = arith.constant 5120 : i32
      %add3A_106 = arith.addi %add3A_105, %mul3A_104 : i32
      %swap3A_107 = arith.index_cast %add3A_106 : i32 to index
      %swap3A_108 = tpu.vector_load %arg7[%swap3A_107] {strides = array<i32>} : memref<8192xf32, #tpu.memory_space<vmem>>, vector<16xf32>,
      tpu.vector_store %arg7[%swap3A_107], %gather3A_102 {strides = array<i32>} : memref<8192xf32, #tpu.memory_space<vmem>>, vector<16xf32>,
      %broadcast_in_dim3A_109 = arith.constant 47104 : i32
      %broadcast_in_dim3A_110 = vector.broadcast %broadcast_in_dim3A_109 : i32 to vector<16xi32>
      %add3A_111 = arith.addi %get3A_51, %broadcast_in_dim3A_110 : vector<16xi32>
      %gather3A_112 = tpu.vector_load_idx %arg5[%add3A_111] : memref<65536xf32, #tpu.memory_space<vmem>>[vector<16xi32>], vector<16xf32>,
      %mul3A_113 = arith.constant 16 : i32
      %mul3A_114 = arith.muli %scan3A_48, %mul3A_113 : i32
      %add3A_115 = arith.constant 6144 : i32
      %add3A_116 = arith.addi %add3A_115, %mul3A_114 : i32
      %swap3A_117 = arith.index_cast %add3A_116 : i32 to index
      %swap3A_118 = tpu.vector_load %arg7[%swap3A_117] {strides = array<i32>} : memref<8192xf32, #tpu.memory_space<vmem>>, vector<16xf32>,
      tpu.vector_store %arg7[%swap3A_117], %gather3A_112 {strides = array<i32>} : memref<8192xf32, #tpu.memory_space<vmem>>, vector<16xf32>,
      %broadcast_in_dim3A_119 = arith.constant 48128 : i32
      %broadcast_in_dim3A_120 = vector.broadcast %broadcast_in_dim3A_119 : i32 to vector<16xi32>
      %add3A_121 = arith.addi %get3A_51, %broadcast_in_dim3A_120 : vector<16xi32>
      %gather3A_122 = tpu.vector_load_idx %arg5[%add3A_121] : memref<65536xf32, #tpu.memory_space<vmem>>[vector<16xi32>], vector<16xf32>,
      %mul3A_123 = arith.constant 16 : i32
      %mul3A_124 = arith.muli %scan3A_48, %mul3A_123 : i32
      %add3A_125 = arith.constant 7168 : i32
      %add3A_126 = arith.addi %add3A_125, %mul3A_124 : i32
      %swap3A_127 = arith.index_cast %add3A_126 : i32 to index
      %swap3A_128 = tpu.vector_load %arg7[%swap3A_127] {strides = array<i32>} : memref<8192xf32, #tpu.memory_space<vmem>>, vector<16xf32>,
      tpu.vector_store %arg7[%swap3A_127], %gather3A_122 {strides = array<i32>} : memref<8192xf32, #tpu.memory_space<vmem>>, vector<16xf32>,
    }
    %scan3A_35 = arith.constant 64 : i32
    "tpu.region"() ({
      %run_scoped3A = tpu.sem_alloc : memref<!tpu.dma_semaphore, #tpu.memory_space<semaphore_mem>>
      %dma_start3A = arith.constant 40960 : i32
      %dma_start3A_48 = tpu.memref_slice %arg4[%add3A, %dma_start3A] : memref<32x65536xf32, #tpu.memory_space<hbm>> -> memref<1x8192xf32, #tpu.memory_space<hbm>>
      %dma_start3A_49 = tpu.memref_squeeze %dma_start3A_48 : memref<1x8192xf32, #tpu.memory_space<hbm>> -> memref<8192xf32, #tpu.memory_space<hbm>>
      %dma_start3A_50 = arith.constant 40960 : i32
      %dma_start3A_51 = tpu.memref_slice %arg4[%add3A, %dma_start3A_50] : memref<32x65536xf32, #tpu.memory_space<hbm>> -> memref<1x8192xf32, #tpu.memory_space<hbm>>
      %dma_start3A_52 = tpu.memref_squeeze %dma_start3A_51 : memref<1x8192xf32, #tpu.memory_space<hbm>> -> memref<8192xf32, #tpu.memory_space<hbm>>
      tpu.enqueue_dma source(%arg7 : memref<8192xf32, #tpu.memory_space<vmem>>) target(%dma_start3A_52 : memref<8192xf32, #tpu.memory_space<hbm>>) target_semaphore(%run_scoped3A : memref<!tpu.dma_semaphore, #tpu.memory_space<semaphore_mem>>)
      %dma_wait3A = arith.constant 40960 : i32
      %dma_wait3A_53 = tpu.memref_slice %arg4[%add3A, %dma_wait3A] : memref<32x65536xf32, #tpu.memory_space<hbm>> -> memref<1x8192xf32, #tpu.memory_space<hbm>>
      %dma_wait3A_54 = tpu.memref_squeeze %dma_wait3A_53 : memref<1x8192xf32, #tpu.memory_space<hbm>> -> memref<8192xf32, #tpu.memory_space<hbm>>
      %dma_wait3A_55 = arith.constant 40960 : i32
      %dma_wait3A_56 = tpu.memref_slice %arg4[%add3A, %dma_wait3A_55] : memref<32x65536xf32, #tpu.memory_space<hbm>> -> memref<1x8192xf32, #tpu.memory_space<hbm>>
      %dma_wait3A_57 = tpu.memref_squeeze %dma_wait3A_56 : memref<1x8192xf32, #tpu.memory_space<hbm>> -> memref<8192xf32, #tpu.memory_space<hbm>>
      tpu.wait_dma2 semaphore(%run_scoped3A : memref<!tpu.dma_semaphore, #tpu.memory_space<semaphore_mem>>) src(%arg7 : memref<8192xf32, #tpu.memory_space<vmem>>) dst(%dma_wait3A_57 : memref<8192xf32, #tpu.memory_space<hbm>>)
      tpu.yield
    }) : () -> ()
    %scan3A_36 = arith.constant 0 : i32
    %scan3A_37 = arith.constant 0 : i32
    %scan3A_38 = arith.constant 64 : i32
    %scan3A_39 = arith.addi %scan3A_37, %scan3A_38 : i32
    %scan3A_40 = arith.constant 1 : i32
    scf.for %scan3A_48 = %scan3A_37 to %scan3A_39 step %scan3A_40  : i32 {
      %mul3A_49 = arith.constant 16 : i32
      %mul3A_50 = arith.muli %scan3A_48, %mul3A_49 : i32
      %get3A = arith.index_cast %mul3A_50 : i32 to index
      %get3A_51 = tpu.vector_load %arg6[%get3A] {strides = array<i32>} : memref<1024xi32, #tpu.memory_space<vmem>>, vector<16xi32>,
      %broadcast_in_dim3A = arith.constant 49152 : i32
      %broadcast_in_dim3A_52 = vector.broadcast %broadcast_in_dim3A : i32 to vector<16xi32>
      %add3A_53 = arith.addi %get3A_51, %broadcast_in_dim3A_52 : vector<16xi32>
      %gather3A = tpu.vector_load_idx %arg5[%add3A_53] : memref<65536xf32, #tpu.memory_space<vmem>>[vector<16xi32>], vector<16xf32>,
      %mul3A_54 = arith.constant 16 : i32
      %mul3A_55 = arith.muli %scan3A_48, %mul3A_54 : i32
      %add3A_56 = arith.constant 0 : i32
      %add3A_57 = arith.addi %add3A_56, %mul3A_55 : i32
      %swap3A = arith.index_cast %add3A_57 : i32 to index
      %swap3A_58 = tpu.vector_load %arg7[%swap3A] {strides = array<i32>} : memref<8192xf32, #tpu.memory_space<vmem>>, vector<16xf32>,
      tpu.vector_store %arg7[%swap3A], %gather3A {strides = array<i32>} : memref<8192xf32, #tpu.memory_space<vmem>>, vector<16xf32>,
      %broadcast_in_dim3A_59 = arith.constant 50176 : i32
      %broadcast_in_dim3A_60 = vector.broadcast %broadcast_in_dim3A_59 : i32 to vector<16xi32>
      %add3A_61 = arith.addi %get3A_51, %broadcast_in_dim3A_60 : vector<16xi32>
      %gather3A_62 = tpu.vector_load_idx %arg5[%add3A_61] : memref<65536xf32, #tpu.memory_space<vmem>>[vector<16xi32>], vector<16xf32>,
      %mul3A_63 = arith.constant 16 : i32
      %mul3A_64 = arith.muli %scan3A_48, %mul3A_63 : i32
      %add3A_65 = arith.constant 1024 : i32
      %add3A_66 = arith.addi %add3A_65, %mul3A_64 : i32
      %swap3A_67 = arith.index_cast %add3A_66 : i32 to index
      %swap3A_68 = tpu.vector_load %arg7[%swap3A_67] {strides = array<i32>} : memref<8192xf32, #tpu.memory_space<vmem>>, vector<16xf32>,
      tpu.vector_store %arg7[%swap3A_67], %gather3A_62 {strides = array<i32>} : memref<8192xf32, #tpu.memory_space<vmem>>, vector<16xf32>,
      %broadcast_in_dim3A_69 = arith.constant 51200 : i32
      %broadcast_in_dim3A_70 = vector.broadcast %broadcast_in_dim3A_69 : i32 to vector<16xi32>
      %add3A_71 = arith.addi %get3A_51, %broadcast_in_dim3A_70 : vector<16xi32>
      %gather3A_72 = tpu.vector_load_idx %arg5[%add3A_71] : memref<65536xf32, #tpu.memory_space<vmem>>[vector<16xi32>], vector<16xf32>,
      %mul3A_73 = arith.constant 16 : i32
      %mul3A_74 = arith.muli %scan3A_48, %mul3A_73 : i32
      %add3A_75 = arith.constant 2048 : i32
      %add3A_76 = arith.addi %add3A_75, %mul3A_74 : i32
      %swap3A_77 = arith.index_cast %add3A_76 : i32 to index
      %swap3A_78 = tpu.vector_load %arg7[%swap3A_77] {strides = array<i32>} : memref<8192xf32, #tpu.memory_space<vmem>>, vector<16xf32>,
      tpu.vector_store %arg7[%swap3A_77], %gather3A_72 {strides = array<i32>} : memref<8192xf32, #tpu.memory_space<vmem>>, vector<16xf32>,
      %broadcast_in_dim3A_79 = arith.constant 52224 : i32
      %broadcast_in_dim3A_80 = vector.broadcast %broadcast_in_dim3A_79 : i32 to vector<16xi32>
      %add3A_81 = arith.addi %get3A_51, %broadcast_in_dim3A_80 : vector<16xi32>
      %gather3A_82 = tpu.vector_load_idx %arg5[%add3A_81] : memref<65536xf32, #tpu.memory_space<vmem>>[vector<16xi32>], vector<16xf32>,
      %mul3A_83 = arith.constant 16 : i32
      %mul3A_84 = arith.muli %scan3A_48, %mul3A_83 : i32
      %add3A_85 = arith.constant 3072 : i32
      %add3A_86 = arith.addi %add3A_85, %mul3A_84 : i32
      %swap3A_87 = arith.index_cast %add3A_86 : i32 to index
      %swap3A_88 = tpu.vector_load %arg7[%swap3A_87] {strides = array<i32>} : memref<8192xf32, #tpu.memory_space<vmem>>, vector<16xf32>,
      tpu.vector_store %arg7[%swap3A_87], %gather3A_82 {strides = array<i32>} : memref<8192xf32, #tpu.memory_space<vmem>>, vector<16xf32>,
      %broadcast_in_dim3A_89 = arith.constant 53248 : i32
      %broadcast_in_dim3A_90 = vector.broadcast %broadcast_in_dim3A_89 : i32 to vector<16xi32>
      %add3A_91 = arith.addi %get3A_51, %broadcast_in_dim3A_90 : vector<16xi32>
      %gather3A_92 = tpu.vector_load_idx %arg5[%add3A_91] : memref<65536xf32, #tpu.memory_space<vmem>>[vector<16xi32>], vector<16xf32>,
      %mul3A_93 = arith.constant 16 : i32
      %mul3A_94 = arith.muli %scan3A_48, %mul3A_93 : i32
      %add3A_95 = arith.constant 4096 : i32
      %add3A_96 = arith.addi %add3A_95, %mul3A_94 : i32
      %swap3A_97 = arith.index_cast %add3A_96 : i32 to index
      %swap3A_98 = tpu.vector_load %arg7[%swap3A_97] {strides = array<i32>} : memref<8192xf32, #tpu.memory_space<vmem>>, vector<16xf32>,
      tpu.vector_store %arg7[%swap3A_97], %gather3A_92 {strides = array<i32>} : memref<8192xf32, #tpu.memory_space<vmem>>, vector<16xf32>,
      %broadcast_in_dim3A_99 = arith.constant 54272 : i32
      %broadcast_in_dim3A_100 = vector.broadcast %broadcast_in_dim3A_99 : i32 to vector<16xi32>
      %add3A_101 = arith.addi %get3A_51, %broadcast_in_dim3A_100 : vector<16xi32>
      %gather3A_102 = tpu.vector_load_idx %arg5[%add3A_101] : memref<65536xf32, #tpu.memory_space<vmem>>[vector<16xi32>], vector<16xf32>,
      %mul3A_103 = arith.constant 16 : i32
      %mul3A_104 = arith.muli %scan3A_48, %mul3A_103 : i32
      %add3A_105 = arith.constant 5120 : i32
      %add3A_106 = arith.addi %add3A_105, %mul3A_104 : i32
      %swap3A_107 = arith.index_cast %add3A_106 : i32 to index
      %swap3A_108 = tpu.vector_load %arg7[%swap3A_107] {strides = array<i32>} : memref<8192xf32, #tpu.memory_space<vmem>>, vector<16xf32>,
      tpu.vector_store %arg7[%swap3A_107], %gather3A_102 {strides = array<i32>} : memref<8192xf32, #tpu.memory_space<vmem>>, vector<16xf32>,
      %broadcast_in_dim3A_109 = arith.constant 55296 : i32
      %broadcast_in_dim3A_110 = vector.broadcast %broadcast_in_dim3A_109 : i32 to vector<16xi32>
      %add3A_111 = arith.addi %get3A_51, %broadcast_in_dim3A_110 : vector<16xi32>
      %gather3A_112 = tpu.vector_load_idx %arg5[%add3A_111] : memref<65536xf32, #tpu.memory_space<vmem>>[vector<16xi32>], vector<16xf32>,
      %mul3A_113 = arith.constant 16 : i32
      %mul3A_114 = arith.muli %scan3A_48, %mul3A_113 : i32
      %add3A_115 = arith.constant 6144 : i32
      %add3A_116 = arith.addi %add3A_115, %mul3A_114 : i32
      %swap3A_117 = arith.index_cast %add3A_116 : i32 to index
      %swap3A_118 = tpu.vector_load %arg7[%swap3A_117] {strides = array<i32>} : memref<8192xf32, #tpu.memory_space<vmem>>, vector<16xf32>,
      tpu.vector_store %arg7[%swap3A_117], %gather3A_112 {strides = array<i32>} : memref<8192xf32, #tpu.memory_space<vmem>>, vector<16xf32>,
      %broadcast_in_dim3A_119 = arith.constant 56320 : i32
      %broadcast_in_dim3A_120 = vector.broadcast %broadcast_in_dim3A_119 : i32 to vector<16xi32>
      %add3A_121 = arith.addi %get3A_51, %broadcast_in_dim3A_120 : vector<16xi32>
      %gather3A_122 = tpu.vector_load_idx %arg5[%add3A_121] : memref<65536xf32, #tpu.memory_space<vmem>>[vector<16xi32>], vector<16xf32>,
      %mul3A_123 = arith.constant 16 : i32
      %mul3A_124 = arith.muli %scan3A_48, %mul3A_123 : i32
      %add3A_125 = arith.constant 7168 : i32
      %add3A_126 = arith.addi %add3A_125, %mul3A_124 : i32
      %swap3A_127 = arith.index_cast %add3A_126 : i32 to index
      %swap3A_128 = tpu.vector_load %arg7[%swap3A_127] {strides = array<i32>} : memref<8192xf32, #tpu.memory_space<vmem>>, vector<16xf32>,
      tpu.vector_store %arg7[%swap3A_127], %gather3A_122 {strides = array<i32>} : memref<8192xf32, #tpu.memory_space<vmem>>, vector<16xf32>,
    }
    %scan3A_41 = arith.constant 64 : i32
    "tpu.region"() ({
      %run_scoped3A = tpu.sem_alloc : memref<!tpu.dma_semaphore, #tpu.memory_space<semaphore_mem>>
      %dma_start3A = arith.constant 49152 : i32
      %dma_start3A_48 = tpu.memref_slice %arg4[%add3A, %dma_start3A] : memref<32x65536xf32, #tpu.memory_space<hbm>> -> memref<1x8192xf32, #tpu.memory_space<hbm>>
      %dma_start3A_49 = tpu.memref_squeeze %dma_start3A_48 : memref<1x8192xf32, #tpu.memory_space<hbm>> -> memref<8192xf32, #tpu.memory_space<hbm>>
      %dma_start3A_50 = arith.constant 49152 : i32
      %dma_start3A_51 = tpu.memref_slice %arg4[%add3A, %dma_start3A_50] : memref<32x65536xf32, #tpu.memory_space<hbm>> -> memref<1x8192xf32, #tpu.memory_space<hbm>>
      %dma_start3A_52 = tpu.memref_squeeze %dma_start3A_51 : memref<1x8192xf32, #tpu.memory_space<hbm>> -> memref<8192xf32, #tpu.memory_space<hbm>>
      tpu.enqueue_dma source(%arg7 : memref<8192xf32, #tpu.memory_space<vmem>>) target(%dma_start3A_52 : memref<8192xf32, #tpu.memory_space<hbm>>) target_semaphore(%run_scoped3A : memref<!tpu.dma_semaphore, #tpu.memory_space<semaphore_mem>>)
      %dma_wait3A = arith.constant 49152 : i32
      %dma_wait3A_53 = tpu.memref_slice %arg4[%add3A, %dma_wait3A] : memref<32x65536xf32, #tpu.memory_space<hbm>> -> memref<1x8192xf32, #tpu.memory_space<hbm>>
      %dma_wait3A_54 = tpu.memref_squeeze %dma_wait3A_53 : memref<1x8192xf32, #tpu.memory_space<hbm>> -> memref<8192xf32, #tpu.memory_space<hbm>>
      %dma_wait3A_55 = arith.constant 49152 : i32
      %dma_wait3A_56 = tpu.memref_slice %arg4[%add3A, %dma_wait3A_55] : memref<32x65536xf32, #tpu.memory_space<hbm>> -> memref<1x8192xf32, #tpu.memory_space<hbm>>
      %dma_wait3A_57 = tpu.memref_squeeze %dma_wait3A_56 : memref<1x8192xf32, #tpu.memory_space<hbm>> -> memref<8192xf32, #tpu.memory_space<hbm>>
      tpu.wait_dma2 semaphore(%run_scoped3A : memref<!tpu.dma_semaphore, #tpu.memory_space<semaphore_mem>>) src(%arg7 : memref<8192xf32, #tpu.memory_space<vmem>>) dst(%dma_wait3A_57 : memref<8192xf32, #tpu.memory_space<hbm>>)
      tpu.yield
    }) : () -> ()
    %scan3A_42 = arith.constant 0 : i32
    %scan3A_43 = arith.constant 0 : i32
    %scan3A_44 = arith.constant 64 : i32
    %scan3A_45 = arith.addi %scan3A_43, %scan3A_44 : i32
    %scan3A_46 = arith.constant 1 : i32
    scf.for %scan3A_48 = %scan3A_43 to %scan3A_45 step %scan3A_46  : i32 {
      %mul3A_49 = arith.constant 16 : i32
      %mul3A_50 = arith.muli %scan3A_48, %mul3A_49 : i32
      %get3A = arith.index_cast %mul3A_50 : i32 to index
      %get3A_51 = tpu.vector_load %arg6[%get3A] {strides = array<i32>} : memref<1024xi32, #tpu.memory_space<vmem>>, vector<16xi32>,
      %broadcast_in_dim3A = arith.constant 57344 : i32
      %broadcast_in_dim3A_52 = vector.broadcast %broadcast_in_dim3A : i32 to vector<16xi32>
      %add3A_53 = arith.addi %get3A_51, %broadcast_in_dim3A_52 : vector<16xi32>
      %gather3A = tpu.vector_load_idx %arg5[%add3A_53] : memref<65536xf32, #tpu.memory_space<vmem>>[vector<16xi32>], vector<16xf32>,
      %mul3A_54 = arith.constant 16 : i32
      %mul3A_55 = arith.muli %scan3A_48, %mul3A_54 : i32
      %add3A_56 = arith.constant 0 : i32
      %add3A_57 = arith.addi %add3A_56, %mul3A_55 : i32
      %swap3A = arith.index_cast %add3A_57 : i32 to index
      %swap3A_58 = tpu.vector_load %arg7[%swap3A] {strides = array<i32>} : memref<8192xf32, #tpu.memory_space<vmem>>, vector<16xf32>,
      tpu.vector_store %arg7[%swap3A], %gather3A {strides = array<i32>} : memref<8192xf32, #tpu.memory_space<vmem>>, vector<16xf32>,
      %broadcast_in_dim3A_59 = arith.constant 58368 : i32
      %broadcast_in_dim3A_60 = vector.broadcast %broadcast_in_dim3A_59 : i32 to vector<16xi32>
      %add3A_61 = arith.addi %get3A_51, %broadcast_in_dim3A_60 : vector<16xi32>
      %gather3A_62 = tpu.vector_load_idx %arg5[%add3A_61] : memref<65536xf32, #tpu.memory_space<vmem>>[vector<16xi32>], vector<16xf32>,
      %mul3A_63 = arith.constant 16 : i32
      %mul3A_64 = arith.muli %scan3A_48, %mul3A_63 : i32
      %add3A_65 = arith.constant 1024 : i32
      %add3A_66 = arith.addi %add3A_65, %mul3A_64 : i32
      %swap3A_67 = arith.index_cast %add3A_66 : i32 to index
      %swap3A_68 = tpu.vector_load %arg7[%swap3A_67] {strides = array<i32>} : memref<8192xf32, #tpu.memory_space<vmem>>, vector<16xf32>,
      tpu.vector_store %arg7[%swap3A_67], %gather3A_62 {strides = array<i32>} : memref<8192xf32, #tpu.memory_space<vmem>>, vector<16xf32>,
      %broadcast_in_dim3A_69 = arith.constant 59392 : i32
      %broadcast_in_dim3A_70 = vector.broadcast %broadcast_in_dim3A_69 : i32 to vector<16xi32>
      %add3A_71 = arith.addi %get3A_51, %broadcast_in_dim3A_70 : vector<16xi32>
      %gather3A_72 = tpu.vector_load_idx %arg5[%add3A_71] : memref<65536xf32, #tpu.memory_space<vmem>>[vector<16xi32>], vector<16xf32>,
      %mul3A_73 = arith.constant 16 : i32
      %mul3A_74 = arith.muli %scan3A_48, %mul3A_73 : i32
      %add3A_75 = arith.constant 2048 : i32
      %add3A_76 = arith.addi %add3A_75, %mul3A_74 : i32
      %swap3A_77 = arith.index_cast %add3A_76 : i32 to index
      %swap3A_78 = tpu.vector_load %arg7[%swap3A_77] {strides = array<i32>} : memref<8192xf32, #tpu.memory_space<vmem>>, vector<16xf32>,
      tpu.vector_store %arg7[%swap3A_77], %gather3A_72 {strides = array<i32>} : memref<8192xf32, #tpu.memory_space<vmem>>, vector<16xf32>,
      %broadcast_in_dim3A_79 = arith.constant 60416 : i32
      %broadcast_in_dim3A_80 = vector.broadcast %broadcast_in_dim3A_79 : i32 to vector<16xi32>
      %add3A_81 = arith.addi %get3A_51, %broadcast_in_dim3A_80 : vector<16xi32>
      %gather3A_82 = tpu.vector_load_idx %arg5[%add3A_81] : memref<65536xf32, #tpu.memory_space<vmem>>[vector<16xi32>], vector<16xf32>,
      %mul3A_83 = arith.constant 16 : i32
      %mul3A_84 = arith.muli %scan3A_48, %mul3A_83 : i32
      %add3A_85 = arith.constant 3072 : i32
      %add3A_86 = arith.addi %add3A_85, %mul3A_84 : i32
      %swap3A_87 = arith.index_cast %add3A_86 : i32 to index
      %swap3A_88 = tpu.vector_load %arg7[%swap3A_87] {strides = array<i32>} : memref<8192xf32, #tpu.memory_space<vmem>>, vector<16xf32>,
      tpu.vector_store %arg7[%swap3A_87], %gather3A_82 {strides = array<i32>} : memref<8192xf32, #tpu.memory_space<vmem>>, vector<16xf32>,
      %broadcast_in_dim3A_89 = arith.constant 61440 : i32
      %broadcast_in_dim3A_90 = vector.broadcast %broadcast_in_dim3A_89 : i32 to vector<16xi32>
      %add3A_91 = arith.addi %get3A_51, %broadcast_in_dim3A_90 : vector<16xi32>
      %gather3A_92 = tpu.vector_load_idx %arg5[%add3A_91] : memref<65536xf32, #tpu.memory_space<vmem>>[vector<16xi32>], vector<16xf32>,
      %mul3A_93 = arith.constant 16 : i32
      %mul3A_94 = arith.muli %scan3A_48, %mul3A_93 : i32
      %add3A_95 = arith.constant 4096 : i32
      %add3A_96 = arith.addi %add3A_95, %mul3A_94 : i32
      %swap3A_97 = arith.index_cast %add3A_96 : i32 to index
      %swap3A_98 = tpu.vector_load %arg7[%swap3A_97] {strides = array<i32>} : memref<8192xf32, #tpu.memory_space<vmem>>, vector<16xf32>,
      tpu.vector_store %arg7[%swap3A_97], %gather3A_92 {strides = array<i32>} : memref<8192xf32, #tpu.memory_space<vmem>>, vector<16xf32>,
      %broadcast_in_dim3A_99 = arith.constant 62464 : i32
      %broadcast_in_dim3A_100 = vector.broadcast %broadcast_in_dim3A_99 : i32 to vector<16xi32>
      %add3A_101 = arith.addi %get3A_51, %broadcast_in_dim3A_100 : vector<16xi32>
      %gather3A_102 = tpu.vector_load_idx %arg5[%add3A_101] : memref<65536xf32, #tpu.memory_space<vmem>>[vector<16xi32>], vector<16xf32>,
      %mul3A_103 = arith.constant 16 : i32
      %mul3A_104 = arith.muli %scan3A_48, %mul3A_103 : i32
      %add3A_105 = arith.constant 5120 : i32
      %add3A_106 = arith.addi %add3A_105, %mul3A_104 : i32
      %swap3A_107 = arith.index_cast %add3A_106 : i32 to index
      %swap3A_108 = tpu.vector_load %arg7[%swap3A_107] {strides = array<i32>} : memref<8192xf32, #tpu.memory_space<vmem>>, vector<16xf32>,
      tpu.vector_store %arg7[%swap3A_107], %gather3A_102 {strides = array<i32>} : memref<8192xf32, #tpu.memory_space<vmem>>, vector<16xf32>,
      %broadcast_in_dim3A_109 = arith.constant 63488 : i32
      %broadcast_in_dim3A_110 = vector.broadcast %broadcast_in_dim3A_109 : i32 to vector<16xi32>
      %add3A_111 = arith.addi %get3A_51, %broadcast_in_dim3A_110 : vector<16xi32>
      %gather3A_112 = tpu.vector_load_idx %arg5[%add3A_111] : memref<65536xf32, #tpu.memory_space<vmem>>[vector<16xi32>], vector<16xf32>,
      %mul3A_113 = arith.constant 16 : i32
      %mul3A_114 = arith.muli %scan3A_48, %mul3A_113 : i32
      %add3A_115 = arith.constant 6144 : i32
      %add3A_116 = arith.addi %add3A_115, %mul3A_114 : i32
      %swap3A_117 = arith.index_cast %add3A_116 : i32 to index
      %swap3A_118 = tpu.vector_load %arg7[%swap3A_117] {strides = array<i32>} : memref<8192xf32, #tpu.memory_space<vmem>>, vector<16xf32>,
      tpu.vector_store %arg7[%swap3A_117], %gather3A_112 {strides = array<i32>} : memref<8192xf32, #tpu.memory_space<vmem>>, vector<16xf32>,
      %broadcast_in_dim3A_119 = arith.constant 64512 : i32
      %broadcast_in_dim3A_120 = vector.broadcast %broadcast_in_dim3A_119 : i32 to vector<16xi32>
      %add3A_121 = arith.addi %get3A_51, %broadcast_in_dim3A_120 : vector<16xi32>
      %gather3A_122 = tpu.vector_load_idx %arg5[%add3A_121] : memref<65536xf32, #tpu.memory_space<vmem>>[vector<16xi32>], vector<16xf32>,
      %mul3A_123 = arith.constant 16 : i32
      %mul3A_124 = arith.muli %scan3A_48, %mul3A_123 : i32
      %add3A_125 = arith.constant 7168 : i32
      %add3A_126 = arith.addi %add3A_125, %mul3A_124 : i32
      %swap3A_127 = arith.index_cast %add3A_126 : i32 to index
      %swap3A_128 = tpu.vector_load %arg7[%swap3A_127] {strides = array<i32>} : memref<8192xf32, #tpu.memory_space<vmem>>, vector<16xf32>,
      tpu.vector_store %arg7[%swap3A_127], %gather3A_122 {strides = array<i32>} : memref<8192xf32, #tpu.memory_space<vmem>>, vector<16xf32>,
    }
    %scan3A_47 = arith.constant 64 : i32
    "tpu.region"() ({
      %run_scoped3A = tpu.sem_alloc : memref<!tpu.dma_semaphore, #tpu.memory_space<semaphore_mem>>
      %dma_start3A = arith.constant 57344 : i32
      %dma_start3A_48 = tpu.memref_slice %arg4[%add3A, %dma_start3A] : memref<32x65536xf32, #tpu.memory_space<hbm>> -> memref<1x8192xf32, #tpu.memory_space<hbm>>
      %dma_start3A_49 = tpu.memref_squeeze %dma_start3A_48 : memref<1x8192xf32, #tpu.memory_space<hbm>> -> memref<8192xf32, #tpu.memory_space<hbm>>
      %dma_start3A_50 = arith.constant 57344 : i32
      %dma_start3A_51 = tpu.memref_slice %arg4[%add3A, %dma_start3A_50] : memref<32x65536xf32, #tpu.memory_space<hbm>> -> memref<1x8192xf32, #tpu.memory_space<hbm>>
      %dma_start3A_52 = tpu.memref_squeeze %dma_start3A_51 : memref<1x8192xf32, #tpu.memory_space<hbm>> -> memref<8192xf32, #tpu.memory_space<hbm>>
      tpu.enqueue_dma source(%arg7 : memref<8192xf32, #tpu.memory_space<vmem>>) target(%dma_start3A_52 : memref<8192xf32, #tpu.memory_space<hbm>>) target_semaphore(%run_scoped3A : memref<!tpu.dma_semaphore, #tpu.memory_space<semaphore_mem>>)
      %dma_wait3A = arith.constant 57344 : i32
      %dma_wait3A_53 = tpu.memref_slice %arg4[%add3A, %dma_wait3A] : memref<32x65536xf32, #tpu.memory_space<hbm>> -> memref<1x8192xf32, #tpu.memory_space<hbm>>
      %dma_wait3A_54 = tpu.memref_squeeze %dma_wait3A_53 : memref<1x8192xf32, #tpu.memory_space<hbm>> -> memref<8192xf32, #tpu.memory_space<hbm>>
      %dma_wait3A_55 = arith.constant 57344 : i32
      %dma_wait3A_56 = tpu.memref_slice %arg4[%add3A, %dma_wait3A_55] : memref<32x65536xf32, #tpu.memory_space<hbm>> -> memref<1x8192xf32, #tpu.memory_space<hbm>>
      %dma_wait3A_57 = tpu.memref_squeeze %dma_wait3A_56 : memref<1x8192xf32, #tpu.memory_space<hbm>> -> memref<8192xf32, #tpu.memory_space<hbm>>
      tpu.wait_dma2 semaphore(%run_scoped3A : memref<!tpu.dma_semaphore, #tpu.memory_space<semaphore_mem>>) src(%arg7 : memref<8192xf32, #tpu.memory_space<vmem>>) dst(%dma_wait3A_57 : memref<8192xf32, #tpu.memory_space<hbm>>)
      tpu.yield
    }) : () -> ()
    return
  }
}

module attributes {stable_mosaic.version = 14 : i64} {
  func.func @_vq_dist_kernel(%arg0: i32, %arg1: memref<1x64x32x32xf32, #tpu.memory_space<vmem>>, %arg2: memref<64x1024xf32, #tpu.memory_space<vmem>>, %arg3: memref<64x1024xf32, #tpu.memory_space<vmem>>, %arg4: memref<1x1x1024xi32, #tpu.memory_space<vmem>>, %arg5: memref<1x1x1024xf32, #tpu.memory_space<vmem>>) attributes {dimension_semantics = [#tpu.dimension_semantics<parallel>], iteration_bounds = array<i64: 32>, scalar_prefetch = 0 : i64, scratch_operands = 0 : i64, tpu.core_type = #tpu.core_type<tc>, window_params = [{transform_indices = @transform_0, window_bounds = array<i64: 1, 64, 32, 32>}, {pipeline_mode = #tpu.pipeline_mode<synchronous>, transform_indices = @transform_1, window_bounds = array<i64: 64, 1024>}, {pipeline_mode = #tpu.pipeline_mode<synchronous>, transform_indices = @transform_2, window_bounds = array<i64: 64, 1024>}, {transform_indices = @transform_3, window_bounds = array<i64: 1, 1, 1024>}, {transform_indices = @transform_4, window_bounds = array<i64: 1, 1, 1024>}]} {
    %get3A = arith.constant 0 : index
    %get3A_0 = arith.constant 0 : index
    %get3A_1 = arith.constant 0 : index
    %get3A_2 = arith.constant 0 : index
    %get3A_3 = vector.load %arg1[%get3A, %get3A_0, %get3A_1, %get3A_2] : memref<1x64x32x32xf32, #tpu.memory_space<vmem>>, vector<1x64x32x32xf32>
    %get3A_4 = vector.shape_cast %get3A_3 : vector<1x64x32x32xf32> to vector<64x32x32xf32>
    %reshape3A = vector.shape_cast %get3A_4 : vector<64x32x32xf32> to vector<64x1024xf32>
    %get3A_5 = arith.constant 0 : index
    %get3A_6 = arith.constant 0 : index
    %get3A_7 = vector.load %arg2[%get3A_5, %get3A_6] : memref<64x1024xf32, #tpu.memory_space<vmem>>, vector<64x1024xf32>
    %get3A_8 = arith.constant 0 : index
    %get3A_9 = arith.constant 0 : index
    %get3A_10 = vector.load %arg3[%get3A_8, %get3A_9] : memref<64x1024xf32, #tpu.memory_space<vmem>>, vector<64x1024xf32>
    %mul3A = arith.mulf %reshape3A, %reshape3A : vector<64x1024xf32>
    %reshape3A_11 = vector.shape_cast %mul3A : vector<64x1024xf32> to vector<8x8x1024xf32>
    %slice3A = vector.extract_strided_slice %reshape3A_11 {offsets = [0, 0, 0], sizes = [8, 1, 1024], strides = [1, 1, 1]} : vector<8x8x1024xf32> to vector<8x1x1024xf32>
    %squeeze3A = vector.shape_cast %slice3A : vector<8x1x1024xf32> to vector<8x1024xf32>
    %slice3A_12 = vector.extract_strided_slice %reshape3A_11 {offsets = [0, 1, 0], sizes = [8, 1, 1024], strides = [1, 1, 1]} : vector<8x8x1024xf32> to vector<8x1x1024xf32>
    %squeeze3A_13 = vector.shape_cast %slice3A_12 : vector<8x1x1024xf32> to vector<8x1024xf32>
    %add3A = arith.addf %squeeze3A, %squeeze3A_13 : vector<8x1024xf32>
    %slice3A_14 = vector.extract_strided_slice %reshape3A_11 {offsets = [0, 2, 0], sizes = [8, 1, 1024], strides = [1, 1, 1]} : vector<8x8x1024xf32> to vector<8x1x1024xf32>
    %squeeze3A_15 = vector.shape_cast %slice3A_14 : vector<8x1x1024xf32> to vector<8x1024xf32>
    %slice3A_16 = vector.extract_strided_slice %reshape3A_11 {offsets = [0, 3, 0], sizes = [8, 1, 1024], strides = [1, 1, 1]} : vector<8x8x1024xf32> to vector<8x1x1024xf32>
    %squeeze3A_17 = vector.shape_cast %slice3A_16 : vector<8x1x1024xf32> to vector<8x1024xf32>
    %add3A_18 = arith.addf %squeeze3A_15, %squeeze3A_17 : vector<8x1024xf32>
    %add3A_19 = arith.addf %add3A, %add3A_18 : vector<8x1024xf32>
    %slice3A_20 = vector.extract_strided_slice %reshape3A_11 {offsets = [0, 4, 0], sizes = [8, 1, 1024], strides = [1, 1, 1]} : vector<8x8x1024xf32> to vector<8x1x1024xf32>
    %squeeze3A_21 = vector.shape_cast %slice3A_20 : vector<8x1x1024xf32> to vector<8x1024xf32>
    %slice3A_22 = vector.extract_strided_slice %reshape3A_11 {offsets = [0, 5, 0], sizes = [8, 1, 1024], strides = [1, 1, 1]} : vector<8x8x1024xf32> to vector<8x1x1024xf32>
    %squeeze3A_23 = vector.shape_cast %slice3A_22 : vector<8x1x1024xf32> to vector<8x1024xf32>
    %add3A_24 = arith.addf %squeeze3A_21, %squeeze3A_23 : vector<8x1024xf32>
    %slice3A_25 = vector.extract_strided_slice %reshape3A_11 {offsets = [0, 6, 0], sizes = [8, 1, 1024], strides = [1, 1, 1]} : vector<8x8x1024xf32> to vector<8x1x1024xf32>
    %squeeze3A_26 = vector.shape_cast %slice3A_25 : vector<8x1x1024xf32> to vector<8x1024xf32>
    %slice3A_27 = vector.extract_strided_slice %reshape3A_11 {offsets = [0, 7, 0], sizes = [8, 1, 1024], strides = [1, 1, 1]} : vector<8x8x1024xf32> to vector<8x1x1024xf32>
    %squeeze3A_28 = vector.shape_cast %slice3A_27 : vector<8x1x1024xf32> to vector<8x1024xf32>
    %add3A_29 = arith.addf %squeeze3A_26, %squeeze3A_28 : vector<8x1024xf32>
    %add3A_30 = arith.addf %add3A_24, %add3A_29 : vector<8x1024xf32>
    %add3A_31 = arith.addf %add3A_19, %add3A_30 : vector<8x1024xf32>
    %slice3A_32 = vector.extract_strided_slice %add3A_31 {offsets = [0, 0], sizes = [1, 1024], strides = [1, 1]} : vector<8x1024xf32> to vector<1x1024xf32>
    %squeeze3A_33 = vector.shape_cast %slice3A_32 : vector<1x1024xf32> to vector<1024xf32>
    %slice3A_34 = vector.extract_strided_slice %add3A_31 {offsets = [1, 0], sizes = [1, 1024], strides = [1, 1]} : vector<8x1024xf32> to vector<1x1024xf32>
    %squeeze3A_35 = vector.shape_cast %slice3A_34 : vector<1x1024xf32> to vector<1024xf32>
    %add3A_36 = arith.addf %squeeze3A_33, %squeeze3A_35 : vector<1024xf32>
    %slice3A_37 = vector.extract_strided_slice %add3A_31 {offsets = [2, 0], sizes = [1, 1024], strides = [1, 1]} : vector<8x1024xf32> to vector<1x1024xf32>
    %squeeze3A_38 = vector.shape_cast %slice3A_37 : vector<1x1024xf32> to vector<1024xf32>
    %add3A_39 = arith.addf %add3A_36, %squeeze3A_38 : vector<1024xf32>
    %slice3A_40 = vector.extract_strided_slice %add3A_31 {offsets = [3, 0], sizes = [1, 1024], strides = [1, 1]} : vector<8x1024xf32> to vector<1x1024xf32>
    %squeeze3A_41 = vector.shape_cast %slice3A_40 : vector<1x1024xf32> to vector<1024xf32>
    %add3A_42 = arith.addf %add3A_39, %squeeze3A_41 : vector<1024xf32>
    %slice3A_43 = vector.extract_strided_slice %add3A_31 {offsets = [4, 0], sizes = [1, 1024], strides = [1, 1]} : vector<8x1024xf32> to vector<1x1024xf32>
    %squeeze3A_44 = vector.shape_cast %slice3A_43 : vector<1x1024xf32> to vector<1024xf32>
    %add3A_45 = arith.addf %add3A_42, %squeeze3A_44 : vector<1024xf32>
    %slice3A_46 = vector.extract_strided_slice %add3A_31 {offsets = [5, 0], sizes = [1, 1024], strides = [1, 1]} : vector<8x1024xf32> to vector<1x1024xf32>
    %squeeze3A_47 = vector.shape_cast %slice3A_46 : vector<1x1024xf32> to vector<1024xf32>
    %add3A_48 = arith.addf %add3A_45, %squeeze3A_47 : vector<1024xf32>
    %slice3A_49 = vector.extract_strided_slice %add3A_31 {offsets = [6, 0], sizes = [1, 1024], strides = [1, 1]} : vector<8x1024xf32> to vector<1x1024xf32>
    %squeeze3A_50 = vector.shape_cast %slice3A_49 : vector<1x1024xf32> to vector<1024xf32>
    %add3A_51 = arith.addf %add3A_48, %squeeze3A_50 : vector<1024xf32>
    %slice3A_52 = vector.extract_strided_slice %add3A_31 {offsets = [7, 0], sizes = [1, 1024], strides = [1, 1]} : vector<8x1024xf32> to vector<1x1024xf32>
    %squeeze3A_53 = vector.shape_cast %slice3A_52 : vector<1x1024xf32> to vector<1024xf32>
    %add3A_54 = arith.addf %add3A_51, %squeeze3A_53 : vector<1024xf32>
    %broadcast_in_dim3A = vector.shape_cast %add3A_54 : vector<1024xf32> to vector<1x1024xf32>
    %mul3A_55 = arith.mulf %get3A_10, %get3A_10 : vector<64x1024xf32>
    %reduce_sum3A = arith.constant dense<0.000000e+00> : vector<1024xf32>
    %reduce_sum3A_56 = vector.multi_reduction <add>, %mul3A_55, %reduce_sum3A [0] : vector<64x1024xf32> to vector<1024xf32>
    %broadcast_in_dim3A_57 = vector.shape_cast %reduce_sum3A_56 : vector<1024xf32> to vector<1024x1xf32>
    %dot_general3A = arith.constant dense<0.000000e+00> : vector<1024x1024xf32>
    %dot_general3A_58 = tpu.matmul %get3A_7, %reshape3A, %dot_general3A {dimension_numbers = #tpu.dot_dimension_numbers<[0], [0], [1], [1], [0, 1, 1, 1], [], []>, transpose_lhs_hint = false} : vector<64x1024xf32>, vector<64x1024xf32>, vector<1024x1024xf32> -> vector<1024x1024xf32>
    %add3A_59 = vector.broadcast %broadcast_in_dim3A : vector<1x1024xf32> to vector<1024x1024xf32>
    %add3A_60 = arith.addf %add3A_59, %dot_general3A_58 : vector<1024x1024xf32>
    %add3A_61 = vector.broadcast %broadcast_in_dim3A_57 : vector<1024x1xf32> to vector<1024x1024xf32>
    %add3A_62 = arith.addf %add3A_60, %add3A_61 : vector<1024x1024xf32>
    %max3A = arith.constant 0.000000e+00 : f32
    %max3A_63 = vector.broadcast %max3A : f32 to vector<1024x1024xf32>
    %max3A_64 = arith.maximumf %add3A_62, %max3A_63 : vector<1024x1024xf32>
    %sqrt3A = math.sqrt %max3A_64 : vector<1024x1024xf32>
    %reduce_min3A = arith.constant dense<0x7F800000> : vector<1024xf32>
    %reduce_min3A_65 = vector.multi_reduction <minimumf>, %sqrt3A, %reduce_min3A [0] : vector<1024x1024xf32> to vector<1024xf32>
    %broadcast_in_dim3A_66 = vector.shape_cast %reduce_min3A_65 : vector<1024xf32> to vector<1x1024xf32>
    %iota3A = tpu.iota {dimensions = array<i32: 0>} : vector<1024x1024xi32>
    %eq3A = vector.broadcast %broadcast_in_dim3A_66 : vector<1x1024xf32> to vector<1024x1024xf32>
    %eq3A_67 = arith.cmpf oeq, %sqrt3A, %eq3A : vector<1024x1024xf32>
    %jit3A = arith.constant 1024 : i32
    %broadcast_in_dim3A_68 = vector.broadcast %jit3A : i32 to vector<1024x1024xi32>
    %select_n3A = arith.select %eq3A_67, %iota3A, %broadcast_in_dim3A_68 : vector<1024x1024xi1>, vector<1024x1024xi32>
    %reduce_min3A_69 = arith.constant dense<2147483647> : vector<1024xi32>
    %reduce_min3A_70 = vector.multi_reduction <minsi>, %select_n3A, %reduce_min3A_69 [0] : vector<1024x1024xi32> to vector<1024xi32>
    %swap3A = arith.constant 0 : index
    %swap3A_71 = arith.constant 0 : index
    %swap3A_72 = arith.constant 0 : index
    %swap3A_73 = vector.load %arg4[%swap3A, %swap3A_71, %swap3A_72] : memref<1x1x1024xi32, #tpu.memory_space<vmem>>, vector<1x1x1024xi32>
    %swap3A_74 = vector.shape_cast %swap3A_73 : vector<1x1x1024xi32> to vector<1024xi32>
    %swap3A_75 = vector.shape_cast %reduce_min3A_70 : vector<1024xi32> to vector<1x1x1024xi32>
    tpu.vector_store %arg4[%swap3A, %swap3A_71, %swap3A_72], %swap3A_75 {strides = array<i32>} : memref<1x1x1024xi32, #tpu.memory_space<vmem>>, vector<1x1x1024xi32>,
    %reduce_min3A_76 = arith.constant dense<0x7F800000> : vector<1024xf32>
    %reduce_min3A_77 = vector.multi_reduction <minimumf>, %max3A_64, %reduce_min3A_76 [0] : vector<1024x1024xf32> to vector<1024xf32>
    %reduce_sum3A_78 = vector.shape_cast %reduce_min3A_77 : vector<1024xf32> to vector<1x1024xf32>
    %reduce_sum3A_79 = arith.constant dense<0.000000e+00> : vector<1xf32>
    %reduce_sum3A_80 = vector.multi_reduction <add>, %reduce_sum3A_78, %reduce_sum3A_79 [1] : vector<1x1024xf32> to vector<1xf32>
    %reduce_sum3A_81 = vector.shape_cast %reduce_sum3A_80 : vector<1xf32> to vector<1x1xf32>
    %reduce_sum3A_82 = vector.extract %reduce_sum3A_81[0, 0] : f32 from vector<1x1xf32>
    %broadcast_in_dim3A_83 = vector.broadcast %reduce_sum3A_82 : f32 to vector<1024xf32>
    %swap3A_84 = arith.constant 0 : index
    %swap3A_85 = arith.constant 0 : index
    %swap3A_86 = arith.constant 0 : index
    %swap3A_87 = vector.load %arg5[%swap3A_84, %swap3A_85, %swap3A_86] : memref<1x1x1024xf32, #tpu.memory_space<vmem>>, vector<1x1x1024xf32>
    %swap3A_88 = vector.shape_cast %swap3A_87 : vector<1x1x1024xf32> to vector<1024xf32>
    %swap3A_89 = vector.shape_cast %broadcast_in_dim3A_83 : vector<1024xf32> to vector<1x1x1024xf32>
    tpu.vector_store %arg5[%swap3A_84, %swap3A_85, %swap3A_86], %swap3A_89 {strides = array<i32>} : memref<1x1x1024xf32, #tpu.memory_space<vmem>>, vector<1x1x1024xf32>,
    return
  }
  func.func @transform_0(%arg0: i32) -> (i32, i32, i32, i32) {
    %c0_i32 = arith.constant 0 : i32
    %c0_i32_0 = arith.constant 0 : i32
    %c0_i32_1 = arith.constant 0 : i32
    %c0_i32_2 = arith.constant 0 : i32
    return %arg0, %c0_i32, %c0_i32_0, %c0_i32_1 : i32, i32, i32, i32
  }
  func.func @transform_1(%arg0: i32) -> (i32, i32) {
    %c0_i32 = arith.constant 0 : i32
    %c0_i32_0 = arith.constant 0 : i32
    %c0_i32_1 = arith.constant 0 : i32
    return %c0_i32, %c0_i32_0 : i32, i32
  }
  func.func @transform_2(%arg0: i32) -> (i32, i32) {
    %c0_i32 = arith.constant 0 : i32
    %c0_i32_0 = arith.constant 0 : i32
    %c0_i32_1 = arith.constant 0 : i32
    return %c0_i32, %c0_i32_0 : i32, i32
  }
  func.func @transform_3(%arg0: i32) -> (i32, i32, i32) {
    %c0_i32 = arith.constant 0 : i32
    %c0_i32_0 = arith.constant 0 : i32
    %c0_i32_1 = arith.constant 0 : i32
    return %arg0, %c0_i32, %c0_i32_0 : i32, i32, i32
  }
  func.func @transform_4(%arg0: i32) -> (i32, i32, i32) {
    %c0_i32 = arith.constant 0 : i32
    %c0_i32_0 = arith.constant 0 : i32
    %c0_i32_1 = arith.constant 0 : i32
    return %arg0, %c0_i32, %c0_i32_0 : i32, i32, i32
  }
}

</mosaic_0001>

<sc_bundles>
// kernel: kernel.4.cloned.1.call-start
scs
__scs_entry_jumppad:
0x0: {  	(pc) =	sbr.rel $0x88, $3  }
0x1: {  	(tag) =	ssettag $0x0;
	lr =	simm.s32 $0x1  }
0x2: {  	[smem:$0x3F9F] =	sst lr;
	_ =	strace $0xD0000000  }
0x3: {  	_ = 	snop  }
0x4: {  	_ = 	snop  }
0x5: {  	_ = 	snop  }
0x6: {  	_ = 	snop  }
0x7: {  	_ = 	snop  }
__scs_overlays_trampoline_lowered:
0x8: {  	[smem:$0x3FAE] =	sst s0  }
0x9: {  	[smem:$0x3FAF] =	sst s1  }
0xa: {  	[smem:$0x3FB0] =	sst s2  }
0xb: {  	[smem:$0x3FB1] =	sst s3  }
0xc: {  	[smem:$0x3FB2] =	sst s4  }
0xd: {  	[smem:$0x3FB3] =	sst s5  }
0xe: {  	[smem:$0x3FB4] =	sst s6  }
0xf: {  	[smem:$0x3FB5] =	sst s7  }
0x10: {  	[smem:$0x3FB6] =	sst s8  }
0x11: {  	[smem:$0x3FB7] =	sst s9;
	s0 =	simm.s32 @!p0 $0x0  }
0x12: {  	s1 =	sld [smem:$0x3F9D];
	s0 =	simm.s32 @p0 $0x1  }
0x13: {  	[smem:$0x3FB8] =	sst s0;
	s0 =	simm.s32 @!p1 $0x0  }
0x14: {  	s2 =	sld [smem:$0x3F9C];
	s0 =	simm.s32 @p1 $0x1  }
0x15: {  	[smem:$0x3FB9] =	sst s0;
	s0 =	simm.s32 @!p2 $0x0  }
0x16: {  	s3 =	sld [smem:$0x3FDB];
	s0 =	simm.s32 @p2 $0x1  }
0x17: {  	s4 =	simm.s32 $0x1BF5;
	[smem:$0x3FBB] =	sst s0  }
0x18: {  	s0 =	sld [smem:$0x3F9E];
	_ =	swait.ge [sflag:s4], $0x0  }
0x19: {  	s7 =	sld [smem:$0x3F9F]  }
0x1a: {  	s8 =	sadd.s32 $0xFFFFE003, lr  }
0x1b: {  	s9 =	sadd.s32 $0xFFFFFEF7, lr;
	s5 =	simm.s32 $0xFFFFFFFF;
	p2 =	slt.u32 s8, $0xFFFFF086  }
0x1c: {  	p1 =	slt.u32 s9, $0xF7A;
	s5 =	simm.s32 @!p2 $0x0  }
0x1d: {  	s5 =	simm.s32 @p1 $0x1;
	p0 =	seq.s32 s7, s2  }
0x1e: {  	s7 =	smul.u32 @!p0 $0xF7A, s2;
	p2 =	seq.s32 @!p0 s5, $0x0  }
0x1f: {  	s9 =	smul.u32 $0xF7A, s1;
	s8 =	simm.s32 @!p0 $0x1BF5;
	p2 =	por !p2, p0  }
0x20: {  	[sflag:s8] =	ssyncset.s32 @!p0 $0xFFFFF086;
	s6 =	sadd.s32 @!p0 s3, s7;
	s7 =	simm.s32 @!p0 $0x108  }
0x21: {  	s3 =	sadd.s32 s3, s9;
	s6 =	sadd.s32 @!p0 $0x88, s6;
	s7 =	simm.s32 @p2 $0x1082  }
0x22: {  	[simem:s7], [sflag:s8] =	dma.local @!p0 [hbm:s6], $0xF7A  }
0x23: {  	s9 =	sor.u32 $0xD0000000, s2;
	s6 =	simm.s32 $0x108;
	_ =	swait.ge @!p0 [sflag:s8], $0x0  }
0x24: {  	s3 =	sadd.s32 $0x88, s3;
	s6 =	simm.s32 @!p1 $0x1082;
	[sflag:s4] =	ssyncset.s32 $0xFFFFF086  }
0x25: {  	[simem:s6], [sflag:s4] =	dma.local [hbm:s3], $0xF7A  }
0x26: {  	[smem:$0x3F9F] =	sst s1;
	(tag) =	ssettag s2;
	_ =	strace s9  }
0x27: {  	s1 =	sld [smem:$0x3FAF]  }
0x28: {  	s2 =	sld [smem:$0x3FB0]  }
0x29: {  	s4 =	sld [smem:$0x3FB2]  }
0x2a: {  	p0 =	seq.s32 s5, $0x0;
	s5 =	sld [smem:$0x3FB3]  }
0x2b: {  	s6 =	sld [smem:$0x3FB4]  }
0x2c: {  	s7 =	sld [smem:$0x3FB5]  }
0x2d: {  	s3 =	simm.s32 $0x108;
	s8 =	sld [smem:$0x3FB6]  }
0x2e: {  	s3 =	simm.s32 @!p0 $0x1082;
	s9 =	sld [smem:$0x3FB7]  }
0x2f: {  	lr =	sadd.s32 s0, s3;
	s0 =	sld [smem:$0x3FAE]  }
0x30: {  	s3 =	sld [smem:$0x3FB1]  }
0x31: {  	[smem:$0x3FBA] =	sst s10  }
0x32: {  	s10 =	sld [smem:$0x3FB8];
	_ =	sdelay $0x3  }
0x33: {  	p0 =	seq.s32 s10, $0x1;
	s10 =	sld [smem:$0x3FBA];
	_ =	sdelay $0x3  }
0x34: {  	[smem:$0x3FBA] =	sst s10  }
0x35: {  	s10 =	sld [smem:$0x3FB9];
	_ =	sdelay $0x3  }
0x36: {  	p1 =	seq.s32 s10, $0x1;
	s10 =	sld [smem:$0x3FBA];
	_ =	sdelay $0x3  }
0x37: {  	[smem:$0x3FBA] =	sst s10  }
0x38: {  	s10 =	sld [smem:$0x3FBB]  }
0x39: {  	_ = 	snop;
	(pc) =	sbr.ind lr, $3  }
0x3a: {  	_ = 	snop  }
0x3b: {  	_ = 	snop  }
0x3c: {  	p2 =	seq.s32 s10, $0x1;
	s10 =	sld [smem:$0x3FBA]  }
0x3d: {  	_ =	shalt  }
0x3e: {  	_ =	shalt  }
0x3f: {  	_ =	shalt  }
0x40: {  	_ =	shalt  }
0x41: {  	_ =	shalt  }
0x42: {  	_ =	shalt  }
0x43: {  	_ =	shalt  }
0x44: {  	_ =	shalt  }
0x45: {  	_ =	shalt  }
0x46: {  	_ =	shalt  }
0x47: {  	_ =	shalt  }
0x48: {  	_ =	shalt  }
0x49: {  	_ =	shalt  }
0x4a: {  	_ =	shalt  }
0x4b: {  	_ =	shalt  }
0x4c: {  	_ =	shalt  }
0x4d: {  	_ =	shalt  }
0x4e: {  	_ =	shalt  }
0x4f: {  	_ =	shalt  }
0x50: {  	_ =	shalt  }
0x51: {  	_ =	shalt  }
0x52: {  	_ =	shalt  }
0x53: {  	_ =	shalt  }
0x54: {  	_ =	shalt  }
0x55: {  	_ =	shalt  }
0x56: {  	_ =	shalt  }
0x57: {  	_ =	shalt  }
0x58: {  	_ =	shalt  }
0x59: {  	_ =	shalt  }
0x5a: {  	_ =	shalt  }
0x5b: {  	_ =	shalt  }
0x5c: {  	_ =	shalt  }
0x5d: {  	_ =	shalt  }
0x5e: {  	_ =	shalt  }
0x5f: {  	_ =	shalt  }
0x60: {  	_ =	shalt  }
0x61: {  	_ =	shalt  }
0x62: {  	_ =	shalt  }
0x63: {  	_ =	shalt  }
0x64: {  	_ =	shalt  }
0x65: {  	_ =	shalt  }
0x66: {  	_ =	shalt  }
0x67: {  	_ =	shalt  }
0x68: {  	_ =	shalt  }
0x69: {  	_ =	shalt  }
0x6a: {  	_ =	shalt  }
0x6b: {  	_ =	shalt  }
0x6c: {  	_ =	shalt  }
0x6d: {  	_ =	shalt  }
0x6e: {  	_ =	shalt  }
0x6f: {  	_ =	shalt  }
0x70: {  	_ =	shalt  }
0x71: {  	_ =	shalt  }
0x72: {  	_ =	shalt  }
0x73: {  	_ =	shalt  }
0x74: {  	_ =	shalt  }
0x75: {  	_ =	shalt  }
0x76: {  	_ =	shalt  }
0x77: {  	_ =	shalt  }
0x78: {  	_ =	shalt  }
0x79: {  	_ =	shalt  }
0x7a: {  	_ =	shalt  }
0x7b: {  	_ =	shalt  }
0x7c: {  	_ =	shalt  }
0x7d: {  	_ =	shalt  }
0x7e: {  	_ =	shalt  }
0x7f: {  	_ =	shalt  }
0x80: {  	_ =	shalt  }
0x81: {  	_ =	shalt  }
0x82: {  	_ =	shalt  }
0x83: {  	_ =	shalt  }
0x84: {  	_ =	shalt  }
0x85: {  	_ =	shalt  }
0x86: {  	_ =	shalt  }
0x87: {  	_ =	shalt  }
.Lfunc_end0:
.L_simem_size_0:
called_computation_lowered:
.L_overlay_start_0:
0x88: {  	s2 =	sld [smem:$0x3FD9]  }
0x89: {  	s3 =	sld [smem:$0x3FFE];
	_ =	sdelay $0x1  }
0x8a: {  	s1 =	srdreg.scid  }
0x8b: {  	s0 =	sand.u32 $0x1, s1  }
0x8c: {  	s14 =	sshll.u32 s0, $0xA;
	s2 =	sadd.s32 s3, s2  }
0x8d: {  	s2 =	sadd.s32 s2, s14  }
0x8e: {  	[smem:$0x3FC6] =	sst s2  }
0x8f: {  	_ = 	snop  }
0x90: {  	s2 =	sld [smem:$0x3FD0];
	_ =	sdelay $0x2  }
0x91: {  	s15 =	simm.s32 $0xA;
	s4 =	simm.s32 $0x10  }
0x92: {  	[smem:s4], [sflag:s15] =	dma.local [hbm:s2], $0x1  }
0x93: {  	_ =	swait.eq [sflag:s15], $0x1  }
0x94: {  	[sflag:s15] =	ssyncset.done $0x0  }
0x95: {  	[sflag:s15] =	ssyncadd.s32 $0xFFFFFFFF  }
0x96: {  	s16 =	sld [smem:$0x10];
	(tm) =	ssettm $0x1  }
0x97: {  	s17 =	sld [smem:$0x3FFB];
	_ =	sdelay $0x3  }
0x98: {  	_ =	strace s17  }
0x99: {  	s3 =	sld [smem:$0x3FFC];
	_ =	sdelay $0x3  }
0x9a: {  	_ =	strace s3  }
0x9b: {  	s3 =	sld [smem:$0x3FFD];
	_ =	sdelay $0x3  }
0x9c: {  	_ =	strace s3  }
0x9d: {  	_ =	strace $0x8FFFFFFF  }
0x9e: {  	s18 =	sld [smem:$0x3FDB];
	_ =	sdelay $0x1  }
0x9f: {  	s19 =	simm.s32 $_scs_section_size  }
0xa0: {  	s5 =	simm.s32 $_size__tile_overlayer_lowered;
	s6 =	simm.s32 $_tile_overlayer_lowered  }
0xa1: {  	s22 =	simm.s32 $0x1BFF;
	s21 =	sshll.u32 s6, $0x1;
	s3 =	sadd.s32 s19, s18  }
0xa2: {  	s7 =	simm.s32 $0x0;
	s20 =	sshll.u32 s5, $0x1;
	s5 =	sadd.s32 s21, s3  }
0xa3: {  	[timem:s7], [sflag:s22] =	dma.local [hbm:s5], s20  }
0xa4: {  	_ =	swait.ge [sflag:s22], s20  }
0xa5: {  	s4 =	ssub.s32 $0x0, s20;
	[sflag:s22] =	ssyncset.done $0x0  }
0xa6: {  	[sflag:s22] =	ssyncadd.s32 s4;
	_ =	sdelay $0x1  }
0xa7: {  	s23 =	simm.s32 $0x1B8B  }
0xa8: {  	_ =	swait.ge [sflag:s23], $0x1  }
0xa9: {  	[sflag:s23] =	ssyncset.done $0x0  }
0xaa: {  	s25 =	simm.s32 $0x1B8E;
	s24 =	sld [smem:$0x3FFE];
	[sflag:s23] =	ssyncadd.s32 $0xFFFFFFFF  }
0xab: {  	s26 =	simm.s32 $execute0_lowered;
	[smem:$0x3FD2] =	sst s25  }
0xac: {  	s5 =	sshll.u32 s26, $0x1;
	_ =	strace $0x80000046;
	[dreg:$0x1] =	wrdreg $0xFFFFFFFF  }
0xad: {  	s28 =	simm.s32 $_size_execute0_lowered;
	s3 =	sadd.s32 s3, s5;
	[dreg:$0x0] =	wrdreg $0x0  }
0xae: {  	s5 =	sshll.u32 s28, $0x1;
	[dreg:$0x2] =	wrdreg s3  }
0xaf: {  	[dreg:$0x3] =	wrdreg s5  }
0xb0: {  	[dreg:$0x4] =	wrdreg $0xC0  }
0xb1: {  	_ =	task [dreg:s7], $0x5FFFF  }
0xb2: {  	[dreg:$0x1] =	wrdreg $0xFFFFFFFF  }
0xb3: {  	[dreg:$0x0] =	wrdreg $0x60  }
0xb4: {  	[dreg:$0x2] =	wrdreg s24  }
0xb5: {  	[dreg:$0x3] =	wrdreg s16  }
0xb6: {  	[dreg:$0x4] =	wrdreg $0x9  }
0xb7: {  	_ =	task.clear_ibuf [dreg:s7], $0x5FFFF;
	_ =	strace $0x90000046  }
0xb8: {  	s29 =	simm.s32 $0x9;
	_ =	strace $0x80000048  }
0xb9: {  	_ =	swait.ge [sflag:s29], $0x1  }
0xba: {  	[sflag:s29] =	ssyncadd.s32 $0xFFFFFFFF  }
0xbb: {  	_ =	strace $0x90000048  }
0xbc: {  	_ =	sfence  }
0xbd: {  	s30 =	sld [smem:$0x0];
	_ =	sdelay $0x2  }
0xbe: {  	s31 =	sshll.u32 s1, $0xD;
	s1 =	sshrl.u32 s1, $0x2  }
0xbf: {  	s3 =	sand.u32 $0x4000, s31;
	s1 =	sadd.s32 s1, s30  }
0xc0: {  	s0 =	sor.u32 s3, s0;
	s1 =	sshll.u32 s1, $0x11  }
0xc1: {  	s0 =	sor.u32 s1, s0  }
0xc2: {  	s0 =	sadd.s32 $0x8F2B, s0  }
0xc3: {  	[sflag:s0] =	ssyncadd.remote.s32 $0x1  }
0xc4: {  	_ =	sfence.sel $0xFFFF  }
0xc5: {  	[dreg:$0x0] =	wrdreg $0xFFFFFFFF;
	(pc) =	sbr.abs _section_cstart, $3  }
0xc6: {  	[dreg:$0x1] =	wrdreg $0xFFFFFFFF  }
0xc7: {  	_ =	task.clear_ibuf [dreg:s7], $0x2FFFF;
	_ =	strace $0x9FFFFFFF  }
0xc8: {  	(tm) =	ssettm $0x7FFFFFFF  }
0xc9: {  	_ =	shalt  }
tec
execute0_lowered:
.L_overlay_start_1:
0x0: {  	(tag) =	ssettag $0x1  }
0x1: {  	s4 =	rddreg [dreg:$0x0]  }
0x2: {  	s5 =	rddreg [dreg:$0x1]  }
0x3: {  	s0 =	rddreg [dreg:$0x2];
	s2 =	simm.s32 $0x0  }
0x4: {  	s3 =	srdreg.scid;
	s1 =	stileid.u32;
	s14 =	simm.s32 $0x1  }
0x5: {  	s15 =	simm.s32 $0x80;
	s16 =	simm.s32 $0x400;
	s17 =	simm.s32 $0x10400  }
0x6: {  	s18 =	simm.s32 $0x0;
	[smem:$0x7FF] =	sst s2;
	s6 =	sand.u32 $0x1, s3  }
0x7: {  	s29 =	sshll.u32 s1, $0x8;
	s7 =	sshrl.u32 s1, $0x2;
	_ =	strace $0x80000047  }
0x8: {  	s8 =	sshll.u32 s6, $0x7;
	s3 =	sand.u32 $0x300, s29;
	s9 =	sshll.u32 s7, $0xD  }
0x9: {  	s7 =	sshll.u32 s7, $0x13;
	s6 =	ssub.s32 $0x2, s6;
	s8 =	sor.u32 s8, s3  }
0xa: {  	s3 =	sadd.s32 $0x400, s4;
	s9 =	sor.u32 s9, s8;
	s7 =	sor.u32 s7, s8  }
0xb: {  	s31 =	sshrl.u32 s6, $0x1;
	s30 =	sshrl.u32 s9, $0x3;
	s7 =	sshrl.u32 s7, $0x3  }
0xc: {  	s13 =	ssub.s32 s6, s31;
	s8 =	sadd.s32 s30, s4;
	s4 =	sadd.s32 s5, s7  }
0xd: {  	s13 =	smax.u32 s13, $0x1;
	s5 =	sadd.s32 $0x2400, s8;
	s6 =	sadd.s32 $0x2000, s4  }
0xe: {  	s7 =	sadd.s32 $0x4000, s4;
	s8 =	sadd.s32 $0x6000, s4;
	s9 =	sadd.s32 $0x8000, s4  }
0xf: {  	s10 =	sadd.s32 $0xA000, s4;
	s11 =	sadd.s32 $0xC000, s4;
	s12 =	sadd.s32 $0xE000, s4  }
.LBB2_1:
0x10: {  	[tilespmem:s2], [sflag:$0x1] =	stream.linear.gather [hbm4b:s3+s2], $0x10000, $0x38;
	[tilespmem:$0x12400] =	vst v63  }
0x11: {  	_ =	swait.ge [sflag:s14], $0x10000  }
0x12: {  	[sflag:s14] =	ssyncset.done $0x0  }
0x13: {  	s19 =	simm.s32 $0x10000;
	[sflag:s14] =	ssyncadd.s32 $0xFFFF0000  }
0x14: {  	[tilespmem:s19], [sflag:$0x1] =	stream.strided.gather [hbm4b:s5+s15], $0x400, s16, s15, $0x38;
	[tilespmem:$0x12400] =	vst v63  }
0x15: {  	_ =	swait.ge [sflag:s14], $0x400  }
0x16: {  	[sflag:s14] =	ssyncset.done $0x0  }
0x17: {  	[sflag:s14] =	ssyncadd.s32 $0xFFFFFC00  }
0x18: {  	v0 =	vld [tilespmem:s19+$0x0];
	_ =	sdelay $0x7  }
0x19: {  	v1 =	vld.idx.msk [tilespmem:v0+s2+$0x0], $0xffff  }
0x1a: {  	v2 =	vadd.s32 $0x400, v0;
	_ =	sdelay $0x3  }
0x1b: {  	[tilespmem:s17+$0x0] =	vst v1  }
0x1c: {  	v1 =	vld.idx.msk [tilespmem:v2+s2+$0x0], $0xffff  }
0x1d: {  	v59 =	vadd.s32 $0x800, v0;
	_ =	sdelay $0x2  }
0x1e: {  	s31 =	sand.u32 $0x3F0, s2  }
0x1f: {  	[tilespmem:s31+$0x10800] =	vst v1  }
0x20: {  	v1 =	vld.idx.msk [tilespmem:v59+s2+$0x0], $0xffff  }
0x21: {  	v60 =	vadd.s32 $0xC00, v0;
	_ =	sdelay $0x3  }
0x22: {  	[tilespmem:s31+$0x10C00] =	vst v1  }
0x23: {  	v1 =	vld.idx.msk [tilespmem:v60+s2+$0x0], $0xffff  }
0x24: {  	v61 =	vadd.s32 $0x1000, v0;
	_ =	sdelay $0x3  }
0x25: {  	[tilespmem:s31+$0x11000] =	vst v1  }
0x26: {  	v1 =	vld.idx.msk [tilespmem:v61+s2+$0x0], $0xffff  }
0x27: {  	v62 =	vadd.s32 $0x1400, v0;
	_ =	sdelay $0x3  }
0x28: {  	[tilespmem:s31+$0x11400] =	vst v1  }
0x29: {  	v1 =	vld.idx.msk [tilespmem:v62+s2+$0x0], $0xffff  }
0x2a: {  	v63 =	vadd.s32 $0x1800, v0;
	_ =	sdelay $0x3  }
0x2b: {  	[tilespmem:s31+$0x11800] =	vst v1  }
0x2c: {  	v1 =	vld.idx.msk [tilespmem:v63+s2+$0x0], $0xffff  }
0x2d: {  	v0 =	vadd.s32 $0x1C00, v0;
	_ =	sdelay $0x3  }
0x2e: {  	[tilespmem:s31+$0x11C00] =	vst v1  }
0x2f: {  	v0 =	vld.idx.msk [tilespmem:v0+s2+$0x0], $0xffff;
	_ =	sdelay $0x4  }
0x30: {  	s20 =	simm.s32 $0x10;
	s21 =	simm.s32 $0x10400;
	s19 =	simm.s32 $0x10010;
	[tilespmem:s31+$0x12000] =	vst v0  }
.LBB2_2:
0x31: {  	v0 =	vld [tilespmem:s19+$0x0];
	p0 =	sne.s32 s20, $0x3F0;
	_ =	sdelay $0x4  }
0x32: {  	v1 =	vadd.s32 $0x1C00, v0;
	_ =	sdelay $0x2  }
0x33: {  	v2 =	vld.idx.msk [tilespmem:v0+s2+$0x0], $0xffff;
	_ =	sdelay $0x1  }
0x34: {  	v3 =	vadd.s32 $0x400, v0;
	_ =	sdelay $0x2  }
0x35: {  	s21 =	sadd.s32 $0x10, s21  }
0x36: {  	[tilespmem:s21+$0x0] =	vst v2  }
0x37: {  	v2 =	vld.idx.msk [tilespmem:v3+s2+$0x0], $0xffff;
	_ =	sdelay $0x1  }
0x38: {  	v3 =	vadd.s32 $0x800, v0;
	_ =	sdelay $0x2  }
0x39: {  	s22 =	sand.u32 $0x3F0, s20  }
0x3a: {  	[tilespmem:s22+$0x10800] =	vst v2  }
0x3b: {  	v2 =	vld.idx.msk [tilespmem:v3+s2+$0x0], $0xffff;
	_ =	sdelay $0x1  }
0x3c: {  	v3 =	vadd.s32 $0xC00, v0;
	_ =	sdelay $0x3  }
0x3d: {  	[tilespmem:s22+$0x10C00] =	vst v2  }
0x3e: {  	v2 =	vld.idx.msk [tilespmem:v3+s2+$0x0], $0xffff;
	_ =	sdelay $0x1  }
0x3f: {  	v3 =	vadd.s32 $0x1000, v0;
	_ =	sdelay $0x3  }
0x40: {  	[tilespmem:s22+$0x11000] =	vst v2  }
0x41: {  	v2 =	vld.idx.msk [tilespmem:v3+s2+$0x0], $0xffff;
	_ =	sdelay $0x1  }
0x42: {  	v3 =	vadd.s32 $0x1400, v0;
	_ =	sdelay $0x3  }
0x43: {  	[tilespmem:s22+$0x11400] =	vst v2  }
0x44: {  	v2 =	vld.idx.msk [tilespmem:v3+s2+$0x0], $0xffff;
	_ =	sdelay $0x1  }
0x45: {  	v0 =	vadd.s32 $0x1800, v0;
	_ =	sdelay $0x3  }
0x46: {  	[tilespmem:s22+$0x11800] =	vst v2  }
0x47: {  	v0 =	vld.idx.msk [tilespmem:v0+s2+$0x0], $0xffff;
	_ =	sdelay $0x5  }
0x48: {  	[tilespmem:s22+$0x11C00] =	vst v0  }
0x49: {  	v0 =	vld.idx.msk [tilespmem:v1+s2+$0x0], $0xffff;
	_ =	sdelay $0x1  }
.Ltmp0:
0x4a: {  	(pc) =	sbr.rel @p0 .LBB2_2-.Ltmp0, $2  }
0x4b: {  	_ =	sdelay $0x2  }
0x4c: {  	s19 =	sadd.s32 $0x10, s19;
	s20 =	sadd.s32 $0x10, s20;
	[tilespmem:s22+$0x12000] =	vst v0  }
0x4d: {  	s19 =	simm.s32 $0x10400  }
0x4e: {  	[hbm4b:s4+s15] =	stream.strided.scatter [tilespmem:s19], [sflag:$0x1], $0x2000, s16, s15, $0x38;
	[tilespmem:$0x12400] =	vst v63  }
0x4f: {  	_ =	swait.ge [sflag:s14], $0x2000  }
0x50: {  	[sflag:s14] =	ssyncset.done $0x0  }
0x51: {  	s20 =	simm.s32 $0x10000;
	[sflag:s14] =	ssyncadd.s32 $0xFFFFE000  }
0x52: {  	v0 =	vld [tilespmem:s20+$0x0];
	_ =	sdelay $0x4  }
0x53: {  	v1 =	vadd.s32 $0x2000, v0;
	_ =	sdelay $0x4  }
0x54: {  	v1 =	vld.idx.msk [tilespmem:v1+s2+$0x0], $0xffff  }
0x55: {  	v2 =	vadd.s32 $0x2400, v0;
	_ =	sdelay $0x3  }
0x56: {  	[tilespmem:s19+$0x0] =	vst v1  }
0x57: {  	v1 =	vld.idx.msk [tilespmem:v2+s2+$0x0], $0xffff  }
0x58: {  	v59 =	vadd.s32 $0x2800, v0;
	_ =	sdelay $0x1  }
0x59: {  	s31 =	simm.s32 $0x0  }
0x5a: {  	s20 =	sand.u32 $0x3F0, s31  }
0x5b: {  	[tilespmem:s20+$0x10800] =	vst v1  }
0x5c: {  	v1 =	vld.idx.msk [tilespmem:v59+s2+$0x0], $0xffff  }
0x5d: {  	v60 =	vadd.s32 $0x2C00, v0;
	_ =	sdelay $0x3  }
0x5e: {  	[tilespmem:s20+$0x10C00] =	vst v1  }
0x5f: {  	v1 =	vld.idx.msk [tilespmem:v60+s2+$0x0], $0xffff  }
0x60: {  	v61 =	vadd.s32 $0x3000, v0;
	_ =	sdelay $0x3  }
0x61: {  	[tilespmem:s20+$0x11000] =	vst v1  }
0x62: {  	v1 =	vld.idx.msk [tilespmem:v61+s2+$0x0], $0xffff  }
0x63: {  	v62 =	vadd.s32 $0x3400, v0;
	_ =	sdelay $0x3  }
0x64: {  	[tilespmem:s20+$0x11400] =	vst v1  }
0x65: {  	v1 =	vld.idx.msk [tilespmem:v62+s2+$0x0], $0xffff  }
0x66: {  	v63 =	vadd.s32 $0x3800, v0;
	_ =	sdelay $0x3  }
0x67: {  	[tilespmem:s20+$0x11800] =	vst v1  }
0x68: {  	v1 =	vld.idx.msk [tilespmem:v63+s2+$0x0], $0xffff  }
0x69: {  	v0 =	vadd.s32 $0x3C00, v0;
	_ =	sdelay $0x3  }
0x6a: {  	[tilespmem:s20+$0x11C00] =	vst v1  }
0x6b: {  	v0 =	vld.idx.msk [tilespmem:v0+s2+$0x0], $0xffff;
	_ =	sdelay $0x4  }
0x6c: {  	s21 =	simm.s32 $0x10;
	[tilespmem:s20+$0x12000] =	vst v0;
	s20 =	simm.s32 $0x10010  }
.LBB2_4:
0x6d: {  	v0 =	vld [tilespmem:s20+$0x0];
	p0 =	sne.s32 s21, $0x3F0;
	_ =	sdelay $0x4  }
0x6e: {  	v1 =	vadd.s32 $0x2000, v0;
	v2 =	vadd.s32 $0x3C00, v0;
	_ =	sdelay $0x4  }
0x6f: {  	v1 =	vld.idx.msk [tilespmem:v1+s2+$0x0], $0xffff;
	_ =	sdelay $0x1  }
0x70: {  	v3 =	vadd.s32 $0x2400, v0;
	_ =	sdelay $0x2  }
0x71: {  	s19 =	sadd.s32 $0x10, s19  }
0x72: {  	[tilespmem:s19+$0x0] =	vst v1  }
0x73: {  	v1 =	vld.idx.msk [tilespmem:v3+s2+$0x0], $0xffff;
	_ =	sdelay $0x1  }
0x74: {  	v3 =	vadd.s32 $0x2800, v0;
	_ =	sdelay $0x2  }
0x75: {  	s22 =	sand.u32 $0x3F0, s21  }
0x76: {  	[tilespmem:s22+$0x10800] =	vst v1  }
0x77: {  	v1 =	vld.idx.msk [tilespmem:v3+s2+$0x0], $0xffff;
	_ =	sdelay $0x1  }
0x78: {  	v3 =	vadd.s32 $0x2C00, v0;
	_ =	sdelay $0x3  }
0x79: {  	[tilespmem:s22+$0x10C00] =	vst v1  }
0x7a: {  	v1 =	vld.idx.msk [tilespmem:v3+s2+$0x0], $0xffff;
	_ =	sdelay $0x1  }
0x7b: {  	v3 =	vadd.s32 $0x3000, v0;
	_ =	sdelay $0x3  }
0x7c: {  	[tilespmem:s22+$0x11000] =	vst v1  }
0x7d: {  	v1 =	vld.idx.msk [tilespmem:v3+s2+$0x0], $0xffff;
	_ =	sdelay $0x1  }
0x7e: {  	v3 =	vadd.s32 $0x3400, v0;
	_ =	sdelay $0x3  }
0x7f: {  	[tilespmem:s22+$0x11400] =	vst v1  }
0x80: {  	v1 =	vld.idx.msk [tilespmem:v3+s2+$0x0], $0xffff;
	_ =	sdelay $0x1  }
0x81: {  	v0 =	vadd.s32 $0x3800, v0;
	_ =	sdelay $0x3  }
0x82: {  	[tilespmem:s22+$0x11800] =	vst v1  }
0x83: {  	v0 =	vld.idx.msk [tilespmem:v0+s2+$0x0], $0xffff;
	_ =	sdelay $0x5  }
0x84: {  	[tilespmem:s22+$0x11C00] =	vst v0  }
0x85: {  	v0 =	vld.idx.msk [tilespmem:v2+s2+$0x0], $0xffff;
	_ =	sdelay $0x1  }
.Ltmp1:
0x86: {  	(pc) =	sbr.rel @p0 .LBB2_4-.Ltmp1, $2  }
0x87: {  	_ =	sdelay $0x2  }
0x88: {  	s20 =	sadd.s32 $0x10, s20;
	s21 =	sadd.s32 $0x10, s21;
	[tilespmem:s22+$0x12000] =	vst v0  }
0x89: {  	s19 =	simm.s32 $0x10400  }
0x8a: {  	[hbm4b:s6+s15] =	stream.strided.scatter [tilespmem:s19], [sflag:$0x1], $0x2000, s16, s15, $0x38;
	[tilespmem:$0x12400] =	vst v63  }
0x8b: {  	_ =	swait.ge [sflag:s14], $0x2000  }
0x8c: {  	[sflag:s14] =	ssyncset.done $0x0  }
0x8d: {  	s20 =	simm.s32 $0x10000;
	[sflag:s14] =	ssyncadd.s32 $0xFFFFE000  }
0x8e: {  	v0 =	vld [tilespmem:s20+$0x0];
	_ =	sdelay $0x4  }
0x8f: {  	v1 =	vadd.s32 $0x4000, v0;
	_ =	sdelay $0x4  }
0x90: {  	v1 =	vld.idx.msk [tilespmem:v1+s2+$0x0], $0xffff  }
0x91: {  	v2 =	vadd.s32 $0x4400, v0;
	_ =	sdelay $0x3  }
0x92: {  	[tilespmem:s19+$0x0] =	vst v1  }
0x93: {  	v1 =	vld.idx.msk [tilespmem:v2+s2+$0x0], $0xffff  }
0x94: {  	v59 =	vadd.s32 $0x4800, v0;
	_ =	sdelay $0x1  }
0x95: {  	s31 =	simm.s32 $0x0  }
0x96: {  	s20 =	sand.u32 $0x3F0, s31  }
0x97: {  	[tilespmem:s20+$0x10800] =	vst v1  }
0x98: {  	v1 =	vld.idx.msk [tilespmem:v59+s2+$0x0], $0xffff  }
0x99: {  	v60 =	vadd.s32 $0x4C00, v0;
	_ =	sdelay $0x3  }
0x9a: {  	[tilespmem:s20+$0x10C00] =	vst v1  }
0x9b: {  	v1 =	vld.idx.msk [tilespmem:v60+s2+$0x0], $0xffff  }
0x9c: {  	v61 =	vadd.s32 $0x5000, v0;
	_ =	sdelay $0x3  }
0x9d: {  	[tilespmem:s20+$0x11000] =	vst v1  }
0x9e: {  	v1 =	vld.idx.msk [tilespmem:v61+s2+$0x0], $0xffff  }
0x9f: {  	v62 =	vadd.s32 $0x5400, v0;
	_ =	sdelay $0x3  }
0xa0: {  	[tilespmem:s20+$0x11400] =	vst v1  }
0xa1: {  	v1 =	vld.idx.msk [tilespmem:v62+s2+$0x0], $0xffff  }
0xa2: {  	v63 =	vadd.s32 $0x5800, v0;
	_ =	sdelay $0x3  }
0xa3: {  	[tilespmem:s20+$0x11800] =	vst v1  }
0xa4: {  	v1 =	vld.idx.msk [tilespmem:v63+s2+$0x0], $0xffff  }
0xa5: {  	v0 =	vadd.s32 $0x5C00, v0;
	_ =	sdelay $0x3  }
0xa6: {  	[tilespmem:s20+$0x11C00] =	vst v1  }
0xa7: {  	v0 =	vld.idx.msk [tilespmem:v0+s2+$0x0], $0xffff;
	_ =	sdelay $0x4  }
0xa8: {  	s21 =	simm.s32 $0x10;
	[tilespmem:s20+$0x12000] =	vst v0;
	s20 =	simm.s32 $0x10010  }
.LBB2_6:
0xa9: {  	v0 =	vld [tilespmem:s20+$0x0];
	p0 =	sne.s32 s21, $0x3F0;
	_ =	sdelay $0x4  }
0xaa: {  	v1 =	vadd.s32 $0x4000, v0;
	v2 =	vadd.s32 $0x5C00, v0;
	_ =	sdelay $0x4  }
0xab: {  	v1 =	vld.idx.msk [tilespmem:v1+s2+$0x0], $0xffff;
	_ =	sdelay $0x1  }
0xac: {  	v3 =	vadd.s32 $0x4400, v0;
	_ =	sdelay $0x2  }
0xad: {  	s19 =	sadd.s32 $0x10, s19  }
0xae: {  	[tilespmem:s19+$0x0] =	vst v1  }
0xaf: {  	v1 =	vld.idx.msk [tilespmem:v3+s2+$0x0], $0xffff;
	_ =	sdelay $0x1  }
0xb0: {  	v3 =	vadd.s32 $0x4800, v0;
	_ =	sdelay $0x2  }
0xb1: {  	s22 =	sand.u32 $0x3F0, s21  }
0xb2: {  	[tilespmem:s22+$0x10800] =	vst v1  }
0xb3: {  	v1 =	vld.idx.msk [tilespmem:v3+s2+$0x0], $0xffff;
	_ =	sdelay $0x1  }
0xb4: {  	v3 =	vadd.s32 $0x4C00, v0;
	_ =	sdelay $0x3  }
0xb5: {  	[tilespmem:s22+$0x10C00] =	vst v1  }
0xb6: {  	v1 =	vld.idx.msk [tilespmem:v3+s2+$0x0], $0xffff;
	_ =	sdelay $0x1  }
0xb7: {  	v3 =	vadd.s32 $0x5000, v0;
	_ =	sdelay $0x3  }
0xb8: {  	[tilespmem:s22+$0x11000] =	vst v1  }
0xb9: {  	v1 =	vld.idx.msk [tilespmem:v3+s2+$0x0], $0xffff;
	_ =	sdelay $0x1  }
0xba: {  	v3 =	vadd.s32 $0x5400, v0;
	_ =	sdelay $0x3  }
0xbb: {  	[tilespmem:s22+$0x11400] =	vst v1  }
0xbc: {  	v1 =	vld.idx.msk [tilespmem:v3+s2+$0x0], $0xffff;
	_ =	sdelay $0x1  }
0xbd: {  	v0 =	vadd.s32 $0x5800, v0;
	_ =	sdelay $0x3  }
0xbe: {  	[tilespmem:s22+$0x11800] =	vst v1  }
0xbf: {  	v0 =	vld.idx.msk [tilespmem:v0+s2+$0x0], $0xffff;
	_ =	sdelay $0x5  }
0xc0: {  	[tilespmem:s22+$0x11C00] =	vst v0  }
0xc1: {  	v0 =	vld.idx.msk [tilespmem:v2+s2+$0x0], $0xffff;
	_ =	sdelay $0x1  }
.Ltmp2:
0xc2: {  	(pc) =	sbr.rel @p0 .LBB2_6-.Ltmp2, $2  }
0xc3: {  	_ =	sdelay $0x2  }
0xc4: {  	s20 =	sadd.s32 $0x10, s20;
	s21 =	sadd.s32 $0x10, s21;
	[tilespmem:s22+$0x12000] =	vst v0  }
0xc5: {  	s19 =	simm.s32 $0x10400  }
0xc6: {  	[hbm4b:s7+s15] =	stream.strided.scatter [tilespmem:s19], [sflag:$0x1], $0x2000, s16, s15, $0x38;
	[tilespmem:$0x12400] =	vst v63  }
0xc7: {  	_ =	swait.ge [sflag:s14], $0x2000  }
0xc8: {  	[sflag:s14] =	ssyncset.done $0x0  }
0xc9: {  	s20 =	simm.s32 $0x10000;
	[sflag:s14] =	ssyncadd.s32 $0xFFFFE000  }
0xca: {  	v0 =	vld [tilespmem:s20+$0x0];
	_ =	sdelay $0x4  }
0xcb: {  	v1 =	vadd.s32 $0x6000, v0;
	_ =	sdelay $0x4  }
0xcc: {  	v1 =	vld.idx.msk [tilespmem:v1+s2+$0x0], $0xffff  }
0xcd: {  	v2 =	vadd.s32 $0x6400, v0;
	_ =	sdelay $0x3  }
0xce: {  	[tilespmem:s19+$0x0] =	vst v1  }
0xcf: {  	v1 =	vld.idx.msk [tilespmem:v2+s2+$0x0], $0xffff  }
0xd0: {  	v59 =	vadd.s32 $0x6800, v0;
	_ =	sdelay $0x1  }
0xd1: {  	s31 =	simm.s32 $0x0  }
0xd2: {  	s20 =	sand.u32 $0x3F0, s31  }
0xd3: {  	[tilespmem:s20+$0x10800] =	vst v1  }
0xd4: {  	v1 =	vld.idx.msk [tilespmem:v59+s2+$0x0], $0xffff  }
0xd5: {  	v60 =	vadd.s32 $0x6C00, v0;
	_ =	sdelay $0x3  }
0xd6: {  	[tilespmem:s20+$0x10C00] =	vst v1  }
0xd7: {  	v1 =	vld.idx.msk [tilespmem:v60+s2+$0x0], $0xffff  }
0xd8: {  	v61 =	vadd.s32 $0x7000, v0;
	_ =	sdelay $0x3  }
0xd9: {  	[tilespmem:s20+$0x11000] =	vst v1  }
0xda: {  	v1 =	vld.idx.msk [tilespmem:v61+s2+$0x0], $0xffff  }
0xdb: {  	v62 =	vadd.s32 $0x7400, v0;
	_ =	sdelay $0x3  }
0xdc: {  	[tilespmem:s20+$0x11400] =	vst v1  }
0xdd: {  	v1 =	vld.idx.msk [tilespmem:v62+s2+$0x0], $0xffff  }
0xde: {  	v63 =	vadd.s32 $0x7800, v0;
	_ =	sdelay $0x3  }
0xdf: {  	[tilespmem:s20+$0x11800] =	vst v1  }
0xe0: {  	v1 =	vld.idx.msk [tilespmem:v63+s2+$0x0], $0xffff  }
0xe1: {  	v0 =	vadd.s32 $0x7C00, v0;
	_ =	sdelay $0x3  }
0xe2: {  	[tilespmem:s20+$0x11C00] =	vst v1  }
0xe3: {  	v0 =	vld.idx.msk [tilespmem:v0+s2+$0x0], $0xffff;
	_ =	sdelay $0x4  }
0xe4: {  	s21 =	simm.s32 $0x10;
	[tilespmem:s20+$0x12000] =	vst v0;
	s20 =	simm.s32 $0x10010  }
.LBB2_8:
0xe5: {  	v0 =	vld [tilespmem:s20+$0x0];
	p0 =	sne.s32 s21, $0x3F0;
	_ =	sdelay $0x4  }
0xe6: {  	v1 =	vadd.s32 $0x6000, v0;
	v2 =	vadd.s32 $0x7C00, v0;
	_ =	sdelay $0x4  }
0xe7: {  	v1 =	vld.idx.msk [tilespmem:v1+s2+$0x0], $0xffff;
	_ =	sdelay $0x1  }
0xe8: {  	v3 =	vadd.s32 $0x6400, v0;
	_ =	sdelay $0x2  }
0xe9: {  	s19 =	sadd.s32 $0x10, s19  }
0xea: {  	[tilespmem:s19+$0x0] =	vst v1  }
0xeb: {  	v1 =	vld.idx.msk [tilespmem:v3+s2+$0x0], $0xffff;
	_ =	sdelay $0x1  }
0xec: {  	v3 =	vadd.s32 $0x6800, v0;
	_ =	sdelay $0x2  }
0xed: {  	s22 =	sand.u32 $0x3F0, s21  }
0xee: {  	[tilespmem:s22+$0x10800] =	vst v1  }
0xef: {  	v1 =	vld.idx.msk [tilespmem:v3+s2+$0x0], $0xffff;
	_ =	sdelay $0x1  }
0xf0: {  	v3 =	vadd.s32 $0x6C00, v0;
	_ =	sdelay $0x3  }
0xf1: {  	[tilespmem:s22+$0x10C00] =	vst v1  }
0xf2: {  	v1 =	vld.idx.msk [tilespmem:v3+s2+$0x0], $0xffff;
	_ =	sdelay $0x1  }
0xf3: {  	v3 =	vadd.s32 $0x7000, v0;
	_ =	sdelay $0x3  }
0xf4: {  	[tilespmem:s22+$0x11000] =	vst v1  }
0xf5: {  	v1 =	vld.idx.msk [tilespmem:v3+s2+$0x0], $0xffff;
	_ =	sdelay $0x1  }
0xf6: {  	v3 =	vadd.s32 $0x7400, v0;
	_ =	sdelay $0x3  }
0xf7: {  	[tilespmem:s22+$0x11400] =	vst v1  }
0xf8: {  	v1 =	vld.idx.msk [tilespmem:v3+s2+$0x0], $0xffff;
	_ =	sdelay $0x1  }
0xf9: {  	v0 =	vadd.s32 $0x7800, v0;
	_ =	sdelay $0x3  }
0xfa: {  	[tilespmem:s22+$0x11800] =	vst v1  }
0xfb: {  	v0 =	vld.idx.msk [tilespmem:v0+s2+$0x0], $0xffff;
	_ =	sdelay $0x5  }
0xfc: {  	[tilespmem:s22+$0x11C00] =	vst v0  }
0xfd: {  	v0 =	vld.idx.msk [tilespmem:v2+s2+$0x0], $0xffff;
	_ =	sdelay $0x1  }
.Ltmp3:
0xfe: {  	(pc) =	sbr.rel @p0 .LBB2_8-.Ltmp3, $2  }
0xff: {  	_ =	sdelay $0x2  }
0x100: {  	s20 =	sadd.s32 $0x10, s20;
	s21 =	sadd.s32 $0x10, s21;
	[tilespmem:s22+$0x12000] =	vst v0  }
0x101: {  	s19 =	simm.s32 $0x10400  }
0x102: {  	[hbm4b:s8+s15] =	stream.strided.scatter [tilespmem:s19], [sflag:$0x1], $0x2000, s16, s15, $0x38;
	[tilespmem:$0x12400] =	vst v63  }
0x103: {  	_ =	swait.ge [sflag:s14], $0x2000  }
0x104: {  	[sflag:s14] =	ssyncset.done $0x0  }
0x105: {  	s20 =	simm.s32 $0x10000;
	[sflag:s14] =	ssyncadd.s32 $0xFFFFE000  }
0x106: {  	v0 =	vld [tilespmem:s20+$0x0];
	_ =	sdelay $0x4  }
0x107: {  	v1 =	vadd.s32 $0x8000, v0;
	_ =	sdelay $0x4  }
0x108: {  	v1 =	vld.idx.msk [tilespmem:v1+s2+$0x0], $0xffff  }
0x109: {  	v2 =	vadd.s32 $0x8400, v0;
	_ =	sdelay $0x3  }
0x10a: {  	[tilespmem:s19+$0x0] =	vst v1  }
0x10b: {  	v1 =	vld.idx.msk [tilespmem:v2+s2+$0x0], $0xffff  }
0x10c: {  	v59 =	vadd.s32 $0x8800, v0;
	_ =	sdelay $0x1  }
0x10d: {  	s31 =	simm.s32 $0x0  }
0x10e: {  	s20 =	sand.u32 $0x3F0, s31  }
0x10f: {  	[tilespmem:s20+$0x10800] =	vst v1  }
0x110: {  	v1 =	vld.idx.msk [tilespmem:v59+s2+$0x0], $0xffff  }
0x111: {  	v60 =	vadd.s32 $0x8C00, v0;
	_ =	sdelay $0x3  }
0x112: {  	[tilespmem:s20+$0x10C00] =	vst v1  }
0x113: {  	v1 =	vld.idx.msk [tilespmem:v60+s2+$0x0], $0xffff  }
0x114: {  	v61 =	vadd.s32 $0x9000, v0;
	_ =	sdelay $0x3  }
0x115: {  	[tilespmem:s20+$0x11000] =	vst v1  }
0x116: {  	v1 =	vld.idx.msk [tilespmem:v61+s2+$0x0], $0xffff  }
0x117: {  	v62 =	vadd.s32 $0x9400, v0;
	_ =	sdelay $0x3  }
0x118: {  	[tilespmem:s20+$0x11400] =	vst v1  }
0x119: {  	v1 =	vld.idx.msk [tilespmem:v62+s2+$0x0], $0xffff  }
0x11a: {  	v63 =	vadd.s32 $0x9800, v0;
	_ =	sdelay $0x3  }
0x11b: {  	[tilespmem:s20+$0x11800] =	vst v1  }
0x11c: {  	v1 =	vld.idx.msk [tilespmem:v63+s2+$0x0], $0xffff  }
0x11d: {  	v0 =	vadd.s32 $0x9C00, v0;
	_ =	sdelay $0x3  }
0x11e: {  	[tilespmem:s20+$0x11C00] =	vst v1  }
0x11f: {  	v0 =	vld.idx.msk [tilespmem:v0+s2+$0x0], $0xffff;
	_ =	sdelay $0x4  }
0x120: {  	s21 =	simm.s32 $0x10;
	[tilespmem:s20+$0x12000] =	vst v0;
	s20 =	simm.s32 $0x10010  }
.LBB2_10:
0x121: {  	v0 =	vld [tilespmem:s20+$0x0];
	p0 =	sne.s32 s21, $0x3F0;
	_ =	sdelay $0x4  }
0x122: {  	v1 =	vadd.s32 $0x8000, v0;
	v2 =	vadd.s32 $0x9C00, v0;
	_ =	sdelay $0x4  }
0x123: {  	v1 =	vld.idx.msk [tilespmem:v1+s2+$0x0], $0xffff;
	_ =	sdelay $0x1  }
0x124: {  	v3 =	vadd.s32 $0x8400, v0;
	_ =	sdelay $0x2  }
0x125: {  	s19 =	sadd.s32 $0x10, s19  }
0x126: {  	[tilespmem:s19+$0x0] =	vst v1  }
0x127: {  	v1 =	vld.idx.msk [tilespmem:v3+s2+$0x0], $0xffff;
	_ =	sdelay $0x1  }
0x128: {  	v3 =	vadd.s32 $0x8800, v0;
	_ =	sdelay $0x2  }
0x129: {  	s22 =	sand.u32 $0x3F0, s21  }
0x12a: {  	[tilespmem:s22+$0x10800] =	vst v1  }
0x12b: {  	v1 =	vld.idx.msk [tilespmem:v3+s2+$0x0], $0xffff;
	_ =	sdelay $0x1  }
0x12c: {  	v3 =	vadd.s32 $0x8C00, v0;
	_ =	sdelay $0x3  }
0x12d: {  	[tilespmem:s22+$0x10C00] =	vst v1  }
0x12e: {  	v1 =	vld.idx.msk [tilespmem:v3+s2+$0x0], $0xffff;
	_ =	sdelay $0x1  }
0x12f: {  	v3 =	vadd.s32 $0x9000, v0;
	_ =	sdelay $0x3  }
0x130: {  	[tilespmem:s22+$0x11000] =	vst v1  }
0x131: {  	v1 =	vld.idx.msk [tilespmem:v3+s2+$0x0], $0xffff;
	_ =	sdelay $0x1  }
0x132: {  	v3 =	vadd.s32 $0x9400, v0;
	_ =	sdelay $0x3  }
0x133: {  	[tilespmem:s22+$0x11400] =	vst v1  }
0x134: {  	v1 =	vld.idx.msk [tilespmem:v3+s2+$0x0], $0xffff;
	_ =	sdelay $0x1  }
0x135: {  	v0 =	vadd.s32 $0x9800, v0;
	_ =	sdelay $0x3  }
0x136: {  	[tilespmem:s22+$0x11800] =	vst v1  }
0x137: {  	v0 =	vld.idx.msk [tilespmem:v0+s2+$0x0], $0xffff;
	_ =	sdelay $0x5  }
0x138: {  	[tilespmem:s22+$0x11C00] =	vst v0  }
0x139: {  	v0 =	vld.idx.msk [tilespmem:v2+s2+$0x0], $0xffff;
	_ =	sdelay $0x1  }
.Ltmp4:
0x13a: {  	(pc) =	sbr.rel @p0 .LBB2_10-.Ltmp4, $2  }
0x13b: {  	_ =	sdelay $0x2  }
0x13c: {  	s20 =	sadd.s32 $0x10, s20;
	s21 =	sadd.s32 $0x10, s21;
	[tilespmem:s22+$0x12000] =	vst v0  }
0x13d: {  	s19 =	simm.s32 $0x10400  }
0x13e: {  	[hbm4b:s9+s15] =	stream.strided.scatter [tilespmem:s19], [sflag:$0x1], $0x2000, s16, s15, $0x38;
	[tilespmem:$0x12400] =	vst v63  }
0x13f: {  	_ =	swait.ge [sflag:s14], $0x2000  }
0x140: {  	[sflag:s14] =	ssyncset.done $0x0  }
0x141: {  	s20 =	simm.s32 $0x10000;
	[sflag:s14] =	ssyncadd.s32 $0xFFFFE000  }
0x142: {  	v0 =	vld [tilespmem:s20+$0x0];
	_ =	sdelay $0x4  }
0x143: {  	v1 =	vadd.s32 $0xA000, v0;
	_ =	sdelay $0x4  }
0x144: {  	v1 =	vld.idx.msk [tilespmem:v1+s2+$0x0], $0xffff  }
0x145: {  	v2 =	vadd.s32 $0xA400, v0;
	_ =	sdelay $0x3  }
0x146: {  	[tilespmem:s19+$0x0] =	vst v1  }
0x147: {  	v1 =	vld.idx.msk [tilespmem:v2+s2+$0x0], $0xffff  }
0x148: {  	v59 =	vadd.s32 $0xA800, v0;
	_ =	sdelay $0x1  }
0x149: {  	s31 =	simm.s32 $0x0  }
0x14a: {  	s20 =	sand.u32 $0x3F0, s31  }
0x14b: {  	[tilespmem:s20+$0x10800] =	vst v1  }
0x14c: {  	v1 =	vld.idx.msk [tilespmem:v59+s2+$0x0], $0xffff  }
0x14d: {  	v60 =	vadd.s32 $0xAC00, v0;
	_ =	sdelay $0x3  }
0x14e: {  	[tilespmem:s20+$0x10C00] =	vst v1  }
0x14f: {  	v1 =	vld.idx.msk [tilespmem:v60+s2+$0x0], $0xffff  }
0x150: {  	v61 =	vadd.s32 $0xB000, v0;
	_ =	sdelay $0x3  }
0x151: {  	[tilespmem:s20+$0x11000] =	vst v1  }
0x152: {  	v1 =	vld.idx.msk [tilespmem:v61+s2+$0x0], $0xffff  }
0x153: {  	v62 =	vadd.s32 $0xB400, v0;
	_ =	sdelay $0x3  }
0x154: {  	[tilespmem:s20+$0x11400] =	vst v1  }
0x155: {  	v1 =	vld.idx.msk [tilespmem:v62+s2+$0x0], $0xffff  }
0x156: {  	v63 =	vadd.s32 $0xB800, v0;
	_ =	sdelay $0x3  }
0x157: {  	[tilespmem:s20+$0x11800] =	vst v1  }
0x158: {  	v1 =	vld.idx.msk [tilespmem:v63+s2+$0x0], $0xffff  }
0x159: {  	v0 =	vadd.s32 $0xBC00, v0;
	_ =	sdelay $0x3  }
0x15a: {  	[tilespmem:s20+$0x11C00] =	vst v1  }
0x15b: {  	v0 =	vld.idx.msk [tilespmem:v0+s2+$0x0], $0xffff;
	_ =	sdelay $0x4  }
0x15c: {  	s21 =	simm.s32 $0x10;
	[tilespmem:s20+$0x12000] =	vst v0;
	s20 =	simm.s32 $0x10010  }
.LBB2_12:
0x15d: {  	v0 =	vld [tilespmem:s20+$0x0];
	p0 =	sne.s32 s21, $0x3F0;
	_ =	sdelay $0x4  }
0x15e: {  	v1 =	vadd.s32 $0xA000, v0;
	v2 =	vadd.s32 $0xBC00, v0;
	_ =	sdelay $0x4  }
0x15f: {  	v1 =	vld.idx.msk [tilespmem:v1+s2+$0x0], $0xffff;
	_ =	sdelay $0x1  }
0x160: {  	v3 =	vadd.s32 $0xA400, v0;
	_ =	sdelay $0x2  }
0x161: {  	s19 =	sadd.s32 $0x10, s19  }
0x162: {  	[tilespmem:s19+$0x0] =	vst v1  }
0x163: {  	v1 =	vld.idx.msk [tilespmem:v3+s2+$0x0], $0xffff;
	_ =	sdelay $0x1  }
0x164: {  	v3 =	vadd.s32 $0xA800, v0;
	_ =	sdelay $0x2  }
0x165: {  	s22 =	sand.u32 $0x3F0, s21  }
0x166: {  	[tilespmem:s22+$0x10800] =	vst v1  }
0x167: {  	v1 =	vld.idx.msk [tilespmem:v3+s2+$0x0], $0xffff;
	_ =	sdelay $0x1  }
0x168: {  	v3 =	vadd.s32 $0xAC00, v0;
	_ =	sdelay $0x3  }
0x169: {  	[tilespmem:s22+$0x10C00] =	vst v1  }
0x16a: {  	v1 =	vld.idx.msk [tilespmem:v3+s2+$0x0], $0xffff;
	_ =	sdelay $0x1  }
0x16b: {  	v3 =	vadd.s32 $0xB000, v0;
	_ =	sdelay $0x3  }
0x16c: {  	[tilespmem:s22+$0x11000] =	vst v1  }
0x16d: {  	v1 =	vld.idx.msk [tilespmem:v3+s2+$0x0], $0xffff;
	_ =	sdelay $0x1  }
0x16e: {  	v3 =	vadd.s32 $0xB400, v0;
	_ =	sdelay $0x3  }
0x16f: {  	[tilespmem:s22+$0x11400] =	vst v1  }
0x170: {  	v1 =	vld.idx.msk [tilespmem:v3+s2+$0x0], $0xffff;
	_ =	sdelay $0x1  }
0x171: {  	v0 =	vadd.s32 $0xB800, v0;
	_ =	sdelay $0x3  }
0x172: {  	[tilespmem:s22+$0x11800] =	vst v1  }
0x173: {  	v0 =	vld.idx.msk [tilespmem:v0+s2+$0x0], $0xffff;
	_ =	sdelay $0x5  }
0x174: {  	[tilespmem:s22+$0x11C00] =	vst v0  }
0x175: {  	v0 =	vld.idx.msk [tilespmem:v2+s2+$0x0], $0xffff;
	_ =	sdelay $0x1  }
.Ltmp5:
0x176: {  	(pc) =	sbr.rel @p0 .LBB2_12-.Ltmp5, $2  }
0x177: {  	_ =	sdelay $0x2  }
0x178: {  	s20 =	sadd.s32 $0x10, s20;
	s21 =	sadd.s32 $0x10, s21;
	[tilespmem:s22+$0x12000] =	vst v0  }
0x179: {  	s19 =	simm.s32 $0x10400  }
0x17a: {  	[hbm4b:s10+s15] =	stream.strided.scatter [tilespmem:s19], [sflag:$0x1], $0x2000, s16, s15, $0x38;
	[tilespmem:$0x12400] =	vst v63  }
0x17b: {  	_ =	swait.ge [sflag:s14], $0x2000  }
0x17c: {  	[sflag:s14] =	ssyncset.done $0x0  }
0x17d: {  	s20 =	simm.s32 $0x10000;
	[sflag:s14] =	ssyncadd.s32 $0xFFFFE000  }
0x17e: {  	v0 =	vld [tilespmem:s20+$0x0];
	_ =	sdelay $0x4  }
0x17f: {  	v1 =	vadd.s32 $0xC000, v0;
	_ =	sdelay $0x4  }
0x180: {  	v1 =	vld.idx.msk [tilespmem:v1+s2+$0x0], $0xffff  }
0x181: {  	v2 =	vadd.s32 $0xC400, v0;
	_ =	sdelay $0x3  }
0x182: {  	[tilespmem:s19+$0x0] =	vst v1  }
0x183: {  	v1 =	vld.idx.msk [tilespmem:v2+s2+$0x0], $0xffff  }
0x184: {  	v59 =	vadd.s32 $0xC800, v0;
	_ =	sdelay $0x1  }
0x185: {  	s31 =	simm.s32 $0x0  }
0x186: {  	s20 =	sand.u32 $0x3F0, s31  }
0x187: {  	[tilespmem:s20+$0x10800] =	vst v1  }
0x188: {  	v1 =	vld.idx.msk [tilespmem:v59+s2+$0x0], $0xffff  }
0x189: {  	v60 =	vadd.s32 $0xCC00, v0;
	_ =	sdelay $0x3  }
0x18a: {  	[tilespmem:s20+$0x10C00] =	vst v1  }
0x18b: {  	v1 =	vld.idx.msk [tilespmem:v60+s2+$0x0], $0xffff  }
0x18c: {  	v61 =	vadd.s32 $0xD000, v0;
	_ =	sdelay $0x3  }
0x18d: {  	[tilespmem:s20+$0x11000] =	vst v1  }
0x18e: {  	v1 =	vld.idx.msk [tilespmem:v61+s2+$0x0], $0xffff  }
0x18f: {  	v62 =	vadd.s32 $0xD400, v0;
	_ =	sdelay $0x3  }
0x190: {  	[tilespmem:s20+$0x11400] =	vst v1  }
0x191: {  	v1 =	vld.idx.msk [tilespmem:v62+s2+$0x0], $0xffff  }
0x192: {  	v63 =	vadd.s32 $0xD800, v0;
	_ =	sdelay $0x3  }
0x193: {  	[tilespmem:s20+$0x11800] =	vst v1  }
0x194: {  	v1 =	vld.idx.msk [tilespmem:v63+s2+$0x0], $0xffff  }
0x195: {  	v0 =	vadd.s32 $0xDC00, v0;
	_ =	sdelay $0x3  }
0x196: {  	[tilespmem:s20+$0x11C00] =	vst v1  }
0x197: {  	v0 =	vld.idx.msk [tilespmem:v0+s2+$0x0], $0xffff;
	_ =	sdelay $0x4  }
0x198: {  	s21 =	simm.s32 $0x10;
	[tilespmem:s20+$0x12000] =	vst v0;
	s20 =	simm.s32 $0x10010  }
.LBB2_14:
0x199: {  	v0 =	vld [tilespmem:s20+$0x0];
	p0 =	sne.s32 s21, $0x3F0;
	_ =	sdelay $0x4  }
0x19a: {  	v1 =	vadd.s32 $0xC000, v0;
	v2 =	vadd.s32 $0xDC00, v0;
	_ =	sdelay $0x4  }
0x19b: {  	v1 =	vld.idx.msk [tilespmem:v1+s2+$0x0], $0xffff;
	_ =	sdelay $0x1  }
0x19c: {  	v3 =	vadd.s32 $0xC400, v0;
	_ =	sdelay $0x2  }
0x19d: {  	s19 =	sadd.s32 $0x10, s19  }
0x19e: {  	[tilespmem:s19+$0x0] =	vst v1  }
0x19f: {  	v1 =	vld.idx.msk [tilespmem:v3+s2+$0x0], $0xffff;
	_ =	sdelay $0x1  }
0x1a0: {  	v3 =	vadd.s32 $0xC800, v0;
	_ =	sdelay $0x2  }
0x1a1: {  	s22 =	sand.u32 $0x3F0, s21  }
0x1a2: {  	[tilespmem:s22+$0x10800] =	vst v1  }
0x1a3: {  	v1 =	vld.idx.msk [tilespmem:v3+s2+$0x0], $0xffff;
	_ =	sdelay $0x1  }
0x1a4: {  	v3 =	vadd.s32 $0xCC00, v0;
	_ =	sdelay $0x3  }
0x1a5: {  	[tilespmem:s22+$0x10C00] =	vst v1  }
0x1a6: {  	v1 =	vld.idx.msk [tilespmem:v3+s2+$0x0], $0xffff;
	_ =	sdelay $0x1  }
0x1a7: {  	v3 =	vadd.s32 $0xD000, v0;
	_ =	sdelay $0x3  }
0x1a8: {  	[tilespmem:s22+$0x11000] =	vst v1  }
0x1a9: {  	v1 =	vld.idx.msk [tilespmem:v3+s2+$0x0], $0xffff;
	_ =	sdelay $0x1  }
0x1aa: {  	v3 =	vadd.s32 $0xD400, v0;
	_ =	sdelay $0x3  }
0x1ab: {  	[tilespmem:s22+$0x11400] =	vst v1  }
0x1ac: {  	v1 =	vld.idx.msk [tilespmem:v3+s2+$0x0], $0xffff;
	_ =	sdelay $0x1  }
0x1ad: {  	v0 =	vadd.s32 $0xD800, v0;
	_ =	sdelay $0x3  }
0x1ae: {  	[tilespmem:s22+$0x11800] =	vst v1  }
0x1af: {  	v0 =	vld.idx.msk [tilespmem:v0+s2+$0x0], $0xffff;
	_ =	sdelay $0x5  }
0x1b0: {  	[tilespmem:s22+$0x11C00] =	vst v0  }
0x1b1: {  	v0 =	vld.idx.msk [tilespmem:v2+s2+$0x0], $0xffff;
	_ =	sdelay $0x1  }
.Ltmp6:
0x1b2: {  	(pc) =	sbr.rel @p0 .LBB2_14-.Ltmp6, $2  }
0x1b3: {  	_ =	sdelay $0x2  }
0x1b4: {  	s20 =	sadd.s32 $0x10, s20;
	s21 =	sadd.s32 $0x10, s21;
	[tilespmem:s22+$0x12000] =	vst v0  }
0x1b5: {  	s19 =	simm.s32 $0x10400  }
0x1b6: {  	[hbm4b:s11+s15] =	stream.strided.scatter [tilespmem:s19], [sflag:$0x1], $0x2000, s16, s15, $0x38;
	[tilespmem:$0x12400] =	vst v63  }
0x1b7: {  	_ =	swait.ge [sflag:s14], $0x2000  }
0x1b8: {  	[sflag:s14] =	ssyncset.done $0x0  }
0x1b9: {  	s20 =	simm.s32 $0x10000;
	[sflag:s14] =	ssyncadd.s32 $0xFFFFE000  }
0x1ba: {  	v0 =	vld [tilespmem:s20+$0x0];
	_ =	sdelay $0x4  }
0x1bb: {  	v1 =	vadd.s32 $0xE000, v0;
	_ =	sdelay $0x4  }
0x1bc: {  	v1 =	vld.idx.msk [tilespmem:v1+s2+$0x0], $0xffff  }
0x1bd: {  	v2 =	vadd.s32 $0xE400, v0;
	_ =	sdelay $0x3  }
0x1be: {  	[tilespmem:s19+$0x0] =	vst v1  }
0x1bf: {  	v1 =	vld.idx.msk [tilespmem:v2+s2+$0x0], $0xffff  }
0x1c0: {  	v59 =	vadd.s32 $0xE800, v0;
	_ =	sdelay $0x1  }
0x1c1: {  	s31 =	simm.s32 $0x0  }
0x1c2: {  	s20 =	sand.u32 $0x3F0, s31  }
0x1c3: {  	[tilespmem:s20+$0x10800] =	vst v1  }
0x1c4: {  	v1 =	vld.idx.msk [tilespmem:v59+s2+$0x0], $0xffff  }
0x1c5: {  	v60 =	vadd.s32 $0xEC00, v0;
	_ =	sdelay $0x3  }
0x1c6: {  	[tilespmem:s20+$0x10C00] =	vst v1  }
0x1c7: {  	v1 =	vld.idx.msk [tilespmem:v60+s2+$0x0], $0xffff  }
0x1c8: {  	v61 =	vadd.s32 $0xF000, v0;
	_ =	sdelay $0x3  }
0x1c9: {  	[tilespmem:s20+$0x11000] =	vst v1  }
0x1ca: {  	v1 =	vld.idx.msk [tilespmem:v61+s2+$0x0], $0xffff  }
0x1cb: {  	v62 =	vadd.s32 $0xF400, v0;
	_ =	sdelay $0x3  }
0x1cc: {  	[tilespmem:s20+$0x11400] =	vst v1  }
0x1cd: {  	v1 =	vld.idx.msk [tilespmem:v62+s2+$0x0], $0xffff  }
0x1ce: {  	v63 =	vadd.s32 $0xF800, v0;
	_ =	sdelay $0x3  }
0x1cf: {  	[tilespmem:s20+$0x11800] =	vst v1  }
0x1d0: {  	v1 =	vld.idx.msk [tilespmem:v63+s2+$0x0], $0xffff  }
0x1d1: {  	v0 =	vadd.s32 $0xFC00, v0;
	_ =	sdelay $0x3  }
0x1d2: {  	[tilespmem:s20+$0x11C00] =	vst v1  }
0x1d3: {  	v0 =	vld.idx.msk [tilespmem:v0+s2+$0x0], $0xffff;
	_ =	sdelay $0x4  }
0x1d4: {  	s21 =	simm.s32 $0x10;
	[tilespmem:s20+$0x12000] =	vst v0;
	s20 =	simm.s32 $0x10010  }
.LBB2_16:
0x1d5: {  	v0 =	vld [tilespmem:s20+$0x0];
	p0 =	sne.s32 s21, $0x3F0;
	_ =	sdelay $0x4  }
0x1d6: {  	v1 =	vadd.s32 $0xE000, v0;
	v2 =	vadd.s32 $0xFC00, v0;
	_ =	sdelay $0x4  }
0x1d7: {  	v1 =	vld.idx.msk [tilespmem:v1+s2+$0x0], $0xffff;
	_ =	sdelay $0x1  }
0x1d8: {  	v3 =	vadd.s32 $0xE400, v0;
	_ =	sdelay $0x2  }
0x1d9: {  	s19 =	sadd.s32 $0x10, s19  }
0x1da: {  	[tilespmem:s19+$0x0] =	vst v1  }
0x1db: {  	v1 =	vld.idx.msk [tilespmem:v3+s2+$0x0], $0xffff;
	_ =	sdelay $0x1  }
0x1dc: {  	v3 =	vadd.s32 $0xE800, v0;
	_ =	sdelay $0x2  }
0x1dd: {  	s22 =	sand.u32 $0x3F0, s21  }
0x1de: {  	[tilespmem:s22+$0x10800] =	vst v1  }
0x1df: {  	v1 =	vld.idx.msk [tilespmem:v3+s2+$0x0], $0xffff;
	_ =	sdelay $0x1  }
0x1e0: {  	v3 =	vadd.s32 $0xEC00, v0;
	_ =	sdelay $0x3  }
0x1e1: {  	[tilespmem:s22+$0x10C00] =	vst v1  }
0x1e2: {  	v1 =	vld.idx.msk [tilespmem:v3+s2+$0x0], $0xffff;
	_ =	sdelay $0x1  }
0x1e3: {  	v3 =	vadd.s32 $0xF000, v0;
	_ =	sdelay $0x3  }
0x1e4: {  	[tilespmem:s22+$0x11000] =	vst v1  }
0x1e5: {  	v1 =	vld.idx.msk [tilespmem:v3+s2+$0x0], $0xffff;
	_ =	sdelay $0x1  }
0x1e6: {  	v3 =	vadd.s32 $0xF400, v0;
	_ =	sdelay $0x3  }
0x1e7: {  	[tilespmem:s22+$0x11400] =	vst v1  }
0x1e8: {  	v1 =	vld.idx.msk [tilespmem:v3+s2+$0x0], $0xffff;
	_ =	sdelay $0x1  }
0x1e9: {  	v0 =	vadd.s32 $0xF800, v0;
	_ =	sdelay $0x3  }
0x1ea: {  	[tilespmem:s22+$0x11800] =	vst v1  }
0x1eb: {  	v0 =	vld.idx.msk [tilespmem:v0+s2+$0x0], $0xffff;
	_ =	sdelay $0x5  }
0x1ec: {  	[tilespmem:s22+$0x11C00] =	vst v0  }
0x1ed: {  	v0 =	vld.idx.msk [tilespmem:v2+s2+$0x0], $0xffff;
	_ =	sdelay $0x1  }
.Ltmp7:
0x1ee: {  	(pc) =	sbr.rel @p0 .LBB2_16-.Ltmp7, $2  }
0x1ef: {  	_ =	sdelay $0x2  }
0x1f0: {  	s20 =	sadd.s32 $0x10, s20;
	s21 =	sadd.s32 $0x10, s21;
	[tilespmem:s22+$0x12000] =	vst v0  }
0x1f1: {  	s18 =	sadd.s32 $0x1, s18  }
0x1f2: {  	p0 =	sne.s32 s18, s13  }
.Ltmp8:
0x1f3: {  	_ = 	snop;
	(pc) =	sbr.rel @p0 .LBB2_1-.Ltmp8, $4  }
0x1f4: {  	[hbm4b:s12+s15] =	stream.strided.scatter [tilespmem:s17], [sflag:$0x1], $0x2000, s16, s15, $0x38;
	[tilespmem:$0x12400] =	vst v63  }
0x1f5: {  	_ =	swait.ge [sflag:s14], $0x2000  }
0x1f6: {  	[sflag:s14] =	ssyncset.done $0x0  }
0x1f7: {  	[sflag:s14] =	ssyncadd.s32 $0xFFFFE000  }
0x1f8: {  	_ =	sfence.sel $0x180000  }
0x1f9: {  	[bflag:$0x0] =	sbarrier.arrive $0xFFFF  }
0x1fa: {  	p0 =	sne.s32 s1, $0x0;
	_ =	strace $0x90000047  }
0x1fb: {  	s0 =	sadd.s32 @!p0 $0x100000, s0;
	[bflag:$0x2] =	sbarrier.arrive $0xFFFF  }
0x1fc: {  	[sflag:s0] =	ssyncadd.tile.s32 @!p0 $0x1;
	_ =	shalt  }
.Lfunc_end2:
_tile_overlayer_lowered:
.L_overlay_start_2:
0x1fd: {  	(tag) =	ssettag $0x2  }
0x1fe: {  	s0 =	rddreg [dreg:$0x0];
	s2 =	stileid.u32  }
0x1ff: {  	s1 =	rddreg [dreg:$0x1];
	p0 =	sne.s32 s2, $0x0  }
0x200: {  	s3 =	rddreg [dreg:$0x2];
	[bflag:$0x3] =	sbarrier.arrive $0xFFFF;
	s2 =	simm.s32 @!p0 $0x1C01  }
0x201: {  	[timem:s3], [sflag:s2] =	dma.local @!p0 [hbm:s0], s1  }
0x202: {  	s0 =	simm.s32 @!p0 $0x1  }
0x203: {  	_ =	swait.ge @!p0 [sflag:s0], s1  }
0x204: {  	s1 =	ssub.s32 @!p0 $0x0, s1;
	[sflag:s0] =	ssyncset.done @!p0 $0x0  }
0x205: {  	[sflag:s0] =	ssyncadd.s32 @!p0 s1  }
0x206: {  	[bflag:$0x3] =	sbarrier.arrive $0xFFFF  }
0x207: {  	_ =	shalt  }

</sc_bundles>
